<compile_context>
chip_gen: v7x
topology: tpu7x:2x2x1
jax: 0.10.2.dev20260603
libtpu: 0.0.44.dev20260713+nightly
codegen_flags: <defaults>
</compile_context>

<pallas_src>
import functools

import jax
import jax.numpy as jnp
from jax import lax
from jax.experimental import pallas as pl
from jax.experimental.pallas import tpu as pltpu
from jax.experimental.pallas import tpu_sc as plsc


def _proj_body(table_ref, w_ref, b_ref, out_ref):
    out_ref[...] = (
        jnp.dot(table_ref[...], w_ref[...], preferred_element_type=jnp.float32)
        + b_ref[...]
    )


def _project_table(table, W, b):
    V, _ = table.shape
    N = W.shape[1]
    return pl.pallas_call(
        _proj_body,
        out_shape=jax.ShapeDtypeStruct((V, N), jnp.float32),
    )(table, W, b.reshape(1, N))


def _make_sc_gather(B, L, D, V, n_workers, chunk_b, idx_row):
    b_per_w = B // n_workers
    n_chunks = b_per_w // chunk_b
    mesh = plsc.VectorSubcoreMesh(core_axis_name="c", subcore_axis_name="s")
    num_cores = 2

    @functools.partial(
        pl.kernel,
        mesh=mesh,
        out_type=jax.ShapeDtypeStruct((B, L, D), jnp.float32),
        compiler_params=pltpu.CompilerParams(use_tc_tiling_on_sc=True),
        scratch_types=[
            pltpu.VMEM((n_chunks, idx_row), jnp.int32),
            pltpu.VMEM((2, idx_row, D), jnp.float32),
            pltpu.VMEM_SHARED((V, D), jnp.float32),
            pltpu.SemaphoreType.DMA,
            pltpu.SemaphoreType.DMA,
            pltpu.SemaphoreType.DMA,
        ],
    )
    def sc_gather(idx_hbm, proj_hbm, out_hbm, idx_v, rows_v, tab_sh, gsem, osem0, osem1):
        wid = lax.axis_index("s") * num_cores + lax.axis_index("c")
        base_b = wid * b_per_w

        @pl.when(lax.axis_index("s") == 0)
        def _stage_table():
            pltpu.sync_copy(proj_hbm, tab_sh)

        pltpu.sync_copy(idx_hbm.at[wid], idx_v)
        plsc.subcore_barrier()

        osems = (osem0, osem1)

        def gather_chunk(c, buf):
            pltpu.async_copy(tab_sh.at[idx_v.at[c]], rows_v.at[buf], gsem).wait()

        def out_copies(c, buf):
            b0 = base_b + c * chunk_b
            return [
                pltpu.make_async_copy(
                    rows_v.at[buf, pl.ds(i * L, L)],
                    out_hbm.at[b0 + i],
                    osems[buf],
                )
                for i in range(chunk_b)
            ]

        def start_out(c, buf):
            for cp in out_copies(c, buf):
                cp.start()

        def wait_out(c_prev, buf):
            for cp in out_copies(c_prev, buf):
                cp.wait()

        gather_chunk(0, 0)
        start_out(0, 0)
        gather_chunk(1, 1)
        start_out(1, 1)

        def body(c0):
            for off in range(2):
                c = c0 + off
                buf = off
                wait_out(c - 2, buf)
                gather_chunk(c, buf)
                start_out(c, buf)

        pl.loop(2, n_chunks, step=2)(body)

        wait_out(n_chunks - 2, 0)
        wait_out(n_chunks - 1, 1)

    return sc_gather


def kernel(categories, table, W, b):
    B, L = categories.shape
    V, _ = table.shape
    D = W.shape[1]

    n_workers = 32
    chunk_b = 2
    idx_row = 128
    assert B % (n_workers * chunk_b) == 0 and chunk_b * L <= idx_row

    proj = _project_table(table, W, b)
    idx = categories.astype(jnp.int32).reshape(B // chunk_b, chunk_b * L)
    idx = jnp.pad(idx, ((0, 0), (0, idx_row - chunk_b * L)))
    idx = idx.reshape(n_workers, B // (n_workers * chunk_b), idx_row)
    return _make_sc_gather(B, L, D, V, n_workers, chunk_b, idx_row)(idx, proj)

# --- scband reference (transcript-rebuilt; emitter-appended) ---
"""Pipeline reference for scband-category-encoder-28965259444653 (READ-ONLY COPY).

The authoritative reference and input builder live on the scoring server;
editing this copy changes nothing except your own understanding.
"""

import jax, jax.numpy as jnp
import numpy as np

PAD_ID = 0

def setup_inputs(seed: int = 0) -> dict:
    key = jax.random.key(seed)
    k1, k2, k3, k4 = jax.random.split(key, 4)
    categories = jax.random.randint(k1, (16384, 50), 0, 25, dtype=jnp.int64)
    table = jax.random.normal(k2, (25, 300), dtype=jnp.float32)
    table = table.at[PAD_ID].set(0.0)  # padding_idx row is zero
    W = jax.random.normal(k3, (300, 128), dtype=jnp.float32) * (1.0 / np.sqrt(300.0))
    b = jax.random.normal(k4, (128,), dtype=jnp.float32) * 0.01
    return {"categories": categories, "table": table, "W": W, "b": b}

def reference(categories, table, W, b):
    # nn.Embedding lookup (gather)
    category_emb = jnp.take(table, categories, axis=0)  # [B, L, 300]
    # reduce_dim Linear
    category_repr = category_emb @ W + b  # [B, L, 128]
    # dropout is identity in eval mode
    return category_repr

if __name__ == "__main__":
    import jax
    _d = setup_inputs()
    print(jax.jit(kernel)(*tuple(_d.values())))

</pallas_src>

<mosaic_0001>
#map = affine_map<(d0, d1) -> (0, 0, 0)>
#map1 = affine_map<(d0, d1) -> (0, 0)>
module attributes {stable_mosaic.version = 14 : i64} {
  func.func @sc_gather(%arg0: i32, %arg1: i32, %arg2: memref<32x256x128xi32, #tpu.memory_space<hbm>>, %arg3: memref<25x128xf32, #tpu.memory_space<hbm>>, %arg4: memref<16384x50x128xf32, #tpu.memory_space<hbm>>, %arg5: memref<256x128xi32, #tpu.memory_space<vmem>>, %arg6: memref<2x128x128xf32, #tpu.memory_space<vmem>>, %arg7: memref<25x128xf32, #tpu.memory_space<vmem_shared>>, %arg8: memref<!tpu.dma_semaphore, #tpu.memory_space<semaphore_mem>>, %arg9: memref<!tpu.dma_semaphore, #tpu.memory_space<semaphore_mem>>, %arg10: memref<!tpu.dma_semaphore, #tpu.memory_space<semaphore_mem>>) attributes {dimension_semantics = [#tpu.dimension_semantics<core_parallel>, #tpu.dimension_semantics<subcore_parallel>], iteration_bounds = array<i64: 2, 16>, scalar_prefetch = 0 : i64, scratch_operands = 6 : i64, tpu.core_type = #tpu.core_type<sc_vector_subcore>, window_params = [{transform_indices = #map}, {transform_indices = #map1}, {transform_indices = #map}]} {
    %mul3A = arith.constant 2 : i32
    %mul3A_0 = arith.muli %arg1, %mul3A : i32
    %add3A = arith.addi %mul3A_0, %arg0 : i32
    %mul3A_1 = arith.constant 512 : i32
    %mul3A_2 = arith.muli %add3A, %mul3A_1 : i32
    %eq3A = arith.constant 0 : i32
    %eq3A_3 = arith.cmpi eq, %arg1, %eq3A : i32
    %convert_element_type3A = arith.extui %eq3A_3 : i1 to i32
    %cond3A = arith.constant 0 : i32
    %cond3A_4 = arith.cmpi ne, %convert_element_type3A, %cond3A : i32
    scf.if %cond3A_4 {
      "tpu.region"() ({
        %run_scoped3A = tpu.sem_alloc : memref<!tpu.dma_semaphore, #tpu.memory_space<semaphore_mem>>
        tpu.enqueue_dma source(%arg3 : memref<25x128xf32, #tpu.memory_space<hbm>>) target(%arg7 : memref<25x128xf32, #tpu.memory_space<vmem_shared>>) target_semaphore(%run_scoped3A : memref<!tpu.dma_semaphore, #tpu.memory_space<semaphore_mem>>)
        tpu.wait_dma2 semaphore(%run_scoped3A : memref<!tpu.dma_semaphore, #tpu.memory_space<semaphore_mem>>) src(%arg3 : memref<25x128xf32, #tpu.memory_space<hbm>>) dst(%arg7 : memref<25x128xf32, #tpu.memory_space<vmem_shared>>)
        tpu.yield
      }) : () -> ()
    } else {
    }
    "tpu.region"() ({
      %run_scoped3A = tpu.sem_alloc : memref<!tpu.dma_semaphore, #tpu.memory_space<semaphore_mem>>
      %dma_start3A_215 = arith.constant 0 : i32
      %dma_start3A_216 = arith.constant 0 : i32
      %dma_start3A_217 = tpu.memref_slice %arg2[%add3A, %dma_start3A_215, %dma_start3A_216] : memref<32x256x128xi32, #tpu.memory_space<hbm>> -> memref<1x256x128xi32, #tpu.memory_space<hbm>>
      %dma_start3A_218 = tpu.memref_squeeze %dma_start3A_217 : memref<1x256x128xi32, #tpu.memory_space<hbm>> -> memref<256x128xi32, #tpu.memory_space<hbm>>
      %dma_start3A_219 = arith.constant 0 : i32
      %dma_start3A_220 = arith.constant 0 : i32
      %dma_start3A_221 = tpu.memref_slice %arg2[%add3A, %dma_start3A_219, %dma_start3A_220] : memref<32x256x128xi32, #tpu.memory_space<hbm>> -> memref<1x256x128xi32, #tpu.memory_space<hbm>>
      %dma_start3A_222 = tpu.memref_squeeze %dma_start3A_221 : memref<1x256x128xi32, #tpu.memory_space<hbm>> -> memref<256x128xi32, #tpu.memory_space<hbm>>
      tpu.enqueue_dma source(%dma_start3A_222 : memref<256x128xi32, #tpu.memory_space<hbm>>) target(%arg5 : memref<256x128xi32, #tpu.memory_space<vmem>>) target_semaphore(%run_scoped3A : memref<!tpu.dma_semaphore, #tpu.memory_space<semaphore_mem>>)
      %dma_wait3A_223 = arith.constant 0 : i32
      %dma_wait3A_224 = arith.constant 0 : i32
      %dma_wait3A_225 = tpu.memref_slice %arg2[%add3A, %dma_wait3A_223, %dma_wait3A_224] : memref<32x256x128xi32, #tpu.memory_space<hbm>> -> memref<1x256x128xi32, #tpu.memory_space<hbm>>
      %dma_wait3A_226 = tpu.memref_squeeze %dma_wait3A_225 : memref<1x256x128xi32, #tpu.memory_space<hbm>> -> memref<256x128xi32, #tpu.memory_space<hbm>>
      %dma_wait3A_227 = arith.constant 0 : i32
      %dma_wait3A_228 = arith.constant 0 : i32
      %dma_wait3A_229 = tpu.memref_slice %arg2[%add3A, %dma_wait3A_227, %dma_wait3A_228] : memref<32x256x128xi32, #tpu.memory_space<hbm>> -> memref<1x256x128xi32, #tpu.memory_space<hbm>>
      %dma_wait3A_230 = tpu.memref_squeeze %dma_wait3A_229 : memref<1x256x128xi32, #tpu.memory_space<hbm>> -> memref<256x128xi32, #tpu.memory_space<hbm>>
      tpu.wait_dma2 semaphore(%run_scoped3A : memref<!tpu.dma_semaphore, #tpu.memory_space<semaphore_mem>>) src(%dma_wait3A_230 : memref<256x128xi32, #tpu.memory_space<hbm>>) dst(%arg5 : memref<256x128xi32, #tpu.memory_space<vmem>>)
      tpu.yield
    }) : () -> ()
    %barrier3A = arith.constant 0 : index
    tpu.barrier barrier_id(%barrier3A)
    %dma_start3A = arith.constant 0 : i32
    %dma_start3A_5 = arith.constant 0 : i32
    %dma_start3A_6 = arith.constant 0 : i32
    %dma_start3A_7 = arith.constant 0 : i32
    %dma_start3A_8 = tpu.memref_slice %arg6[%dma_start3A_5, %dma_start3A_6, %dma_start3A_7] : memref<2x128x128xf32, #tpu.memory_space<vmem>> -> memref<1x128x128xf32, #tpu.memory_space<vmem>>
    %dma_start3A_9 = tpu.memref_squeeze %dma_start3A_8 : memref<1x128x128xf32, #tpu.memory_space<vmem>> -> memref<128x128xf32, #tpu.memory_space<vmem>>
    %dma_start3A_10 = arith.constant 0 : i32
    %dma_start3A_11 = tpu.memref_slice %arg5[%dma_start3A, %dma_start3A_10] : memref<256x128xi32, #tpu.memory_space<vmem>> -> memref<1x128xi32, #tpu.memory_space<vmem>>
    %dma_start3A_12 = tpu.memref_squeeze %dma_start3A_11 : memref<1x128xi32, #tpu.memory_space<vmem>> -> memref<128xi32, #tpu.memory_space<vmem>>
    %dma_start3A_13 = arith.constant 0 : i32
    %dma_start3A_14 = arith.constant 0 : i32
    %dma_start3A_15 = tpu.memref_slice %arg7[%dma_start3A_13, %dma_start3A_14] : memref<25x128xf32, #tpu.memory_space<vmem_shared>> -> memref<25x128xf32, #tpu.memory_space<vmem_shared>>
    tpu.enqueue_indirect_dma source(%dma_start3A_15 : memref<25x128xf32, #tpu.memory_space<vmem_shared>>) target(%dma_start3A_9 : memref<128x128xf32, #tpu.memory_space<vmem>>) offsets(%dma_start3A_12 : memref<128xi32, #tpu.memory_space<vmem>>) semaphore(%arg8 : memref<!tpu.dma_semaphore, #tpu.memory_space<semaphore_mem>>)
    %dma_wait3A = arith.constant 0 : i32
    %dma_wait3A_16 = arith.constant 0 : i32
    %dma_wait3A_17 = arith.constant 0 : i32
    %dma_wait3A_18 = arith.constant 0 : i32
    %dma_wait3A_19 = tpu.memref_slice %arg6[%dma_wait3A_16, %dma_wait3A_17, %dma_wait3A_18] : memref<2x128x128xf32, #tpu.memory_space<vmem>> -> memref<1x128x128xf32, #tpu.memory_space<vmem>>
    %dma_wait3A_20 = tpu.memref_squeeze %dma_wait3A_19 : memref<1x128x128xf32, #tpu.memory_space<vmem>> -> memref<128x128xf32, #tpu.memory_space<vmem>>
    %dma_wait3A_21 = arith.constant 0 : i32
    %dma_wait3A_22 = tpu.memref_slice %arg5[%dma_wait3A, %dma_wait3A_21] : memref<256x128xi32, #tpu.memory_space<vmem>> -> memref<1x128xi32, #tpu.memory_space<vmem>>
    %dma_wait3A_23 = tpu.memref_squeeze %dma_wait3A_22 : memref<1x128xi32, #tpu.memory_space<vmem>> -> memref<128xi32, #tpu.memory_space<vmem>>
    %dma_wait3A_24 = arith.constant 0 : i32
    %dma_wait3A_25 = arith.constant 0 : i32
    %dma_wait3A_26 = tpu.memref_slice %arg7[%dma_wait3A_24, %dma_wait3A_25] : memref<25x128xf32, #tpu.memory_space<vmem_shared>> -> memref<25x128xf32, #tpu.memory_space<vmem_shared>>
    tpu.wait_indirect_dma semaphore(%arg8 : memref<!tpu.dma_semaphore, #tpu.memory_space<semaphore_mem>>) src(%dma_wait3A_26 : memref<25x128xf32, #tpu.memory_space<vmem_shared>>) dst(%dma_wait3A_20 : memref<128x128xf32, #tpu.memory_space<vmem>>)
    %add3A_27 = arith.constant 0 : i32
    %add3A_28 = arith.addi %mul3A_2, %add3A_27 : i32
    %add3A_29 = arith.constant 0 : i32
    %add3A_30 = arith.addi %add3A_28, %add3A_29 : i32
    %add3A_31 = arith.constant 1 : i32
    %add3A_32 = arith.addi %add3A_28, %add3A_31 : i32
    %dma_start3A_33 = arith.constant 0 : i32
    %dma_start3A_34 = arith.constant 0 : i32
    %dma_start3A_35 = arith.constant 0 : i32
    %dma_start3A_36 = tpu.memref_slice %arg6[%dma_start3A_33, %dma_start3A_34, %dma_start3A_35] : memref<2x128x128xf32, #tpu.memory_space<vmem>> -> memref<1x50x128xf32, #tpu.memory_space<vmem>>
    %dma_start3A_37 = tpu.memref_squeeze %dma_start3A_36 : memref<1x50x128xf32, #tpu.memory_space<vmem>> -> memref<50x128xf32, #tpu.memory_space<vmem>>
    %dma_start3A_38 = arith.constant 0 : i32
    %dma_start3A_39 = arith.constant 0 : i32
    %dma_start3A_40 = tpu.memref_slice %arg4[%add3A_30, %dma_start3A_38, %dma_start3A_39] : memref<16384x50x128xf32, #tpu.memory_space<hbm>> -> memref<1x50x128xf32, #tpu.memory_space<hbm>>
    %dma_start3A_41 = tpu.memref_squeeze %dma_start3A_40 : memref<1x50x128xf32, #tpu.memory_space<hbm>> -> memref<50x128xf32, #tpu.memory_space<hbm>>
    %dma_start3A_42 = arith.constant 0 : i32
    %dma_start3A_43 = arith.constant 0 : i32
    %dma_start3A_44 = tpu.memref_slice %arg4[%add3A_30, %dma_start3A_42, %dma_start3A_43] : memref<16384x50x128xf32, #tpu.memory_space<hbm>> -> memref<1x50x128xf32, #tpu.memory_space<hbm>>
    %dma_start3A_45 = tpu.memref_squeeze %dma_start3A_44 : memref<1x50x128xf32, #tpu.memory_space<hbm>> -> memref<50x128xf32, #tpu.memory_space<hbm>>
    %dma_start3A_46 = arith.constant 0 : i32
    %dma_start3A_47 = arith.constant 0 : i32
    %dma_start3A_48 = tpu.memref_slice %arg6[%dma_start3A_33, %dma_start3A_46, %dma_start3A_47] : memref<2x128x128xf32, #tpu.memory_space<vmem>> -> memref<1x50x128xf32, #tpu.memory_space<vmem>>
    %dma_start3A_49 = tpu.memref_squeeze %dma_start3A_48 : memref<1x50x128xf32, #tpu.memory_space<vmem>> -> memref<50x128xf32, #tpu.memory_space<vmem>>
    tpu.enqueue_dma source(%dma_start3A_49 : memref<50x128xf32, #tpu.memory_space<vmem>>) target(%dma_start3A_45 : memref<50x128xf32, #tpu.memory_space<hbm>>) target_semaphore(%arg9 : memref<!tpu.dma_semaphore, #tpu.memory_space<semaphore_mem>>)
    %dma_start3A_50 = arith.constant 0 : i32
    %dma_start3A_51 = arith.constant 50 : i32
    %dma_start3A_52 = arith.constant 0 : i32
    %dma_start3A_53 = tpu.memref_slice %arg6[%dma_start3A_50, %dma_start3A_51, %dma_start3A_52] : memref<2x128x128xf32, #tpu.memory_space<vmem>> -> memref<1x50x128xf32, #tpu.memory_space<vmem>>
    %dma_start3A_54 = tpu.memref_squeeze %dma_start3A_53 : memref<1x50x128xf32, #tpu.memory_space<vmem>> -> memref<50x128xf32, #tpu.memory_space<vmem>>
    %dma_start3A_55 = arith.constant 0 : i32
    %dma_start3A_56 = arith.constant 0 : i32
    %dma_start3A_57 = tpu.memref_slice %arg4[%add3A_32, %dma_start3A_55, %dma_start3A_56] : memref<16384x50x128xf32, #tpu.memory_space<hbm>> -> memref<1x50x128xf32, #tpu.memory_space<hbm>>
    %dma_start3A_58 = tpu.memref_squeeze %dma_start3A_57 : memref<1x50x128xf32, #tpu.memory_space<hbm>> -> memref<50x128xf32, #tpu.memory_space<hbm>>
    %dma_start3A_59 = arith.constant 0 : i32
    %dma_start3A_60 = arith.constant 0 : i32
    %dma_start3A_61 = tpu.memref_slice %arg4[%add3A_32, %dma_start3A_59, %dma_start3A_60] : memref<16384x50x128xf32, #tpu.memory_space<hbm>> -> memref<1x50x128xf32, #tpu.memory_space<hbm>>
    %dma_start3A_62 = tpu.memref_squeeze %dma_start3A_61 : memref<1x50x128xf32, #tpu.memory_space<hbm>> -> memref<50x128xf32, #tpu.memory_space<hbm>>
    %dma_start3A_63 = arith.constant 50 : i32
    %dma_start3A_64 = arith.constant 0 : i32
    %dma_start3A_65 = tpu.memref_slice %arg6[%dma_start3A_50, %dma_start3A_63, %dma_start3A_64] : memref<2x128x128xf32, #tpu.memory_space<vmem>> -> memref<1x50x128xf32, #tpu.memory_space<vmem>>
    %dma_start3A_66 = tpu.memref_squeeze %dma_start3A_65 : memref<1x50x128xf32, #tpu.memory_space<vmem>> -> memref<50x128xf32, #tpu.memory_space<vmem>>
    tpu.enqueue_dma source(%dma_start3A_66 : memref<50x128xf32, #tpu.memory_space<vmem>>) target(%dma_start3A_62 : memref<50x128xf32, #tpu.memory_space<hbm>>) target_semaphore(%arg9 : memref<!tpu.dma_semaphore, #tpu.memory_space<semaphore_mem>>)
    %dma_start3A_67 = arith.constant 1 : i32
    %dma_start3A_68 = arith.constant 1 : i32
    %dma_start3A_69 = arith.constant 0 : i32
    %dma_start3A_70 = arith.constant 0 : i32
    %dma_start3A_71 = tpu.memref_slice %arg6[%dma_start3A_68, %dma_start3A_69, %dma_start3A_70] : memref<2x128x128xf32, #tpu.memory_space<vmem>> -> memref<1x128x128xf32, #tpu.memory_space<vmem>>
    %dma_start3A_72 = tpu.memref_squeeze %dma_start3A_71 : memref<1x128x128xf32, #tpu.memory_space<vmem>> -> memref<128x128xf32, #tpu.memory_space<vmem>>
    %dma_start3A_73 = arith.constant 0 : i32
    %dma_start3A_74 = tpu.memref_slice %arg5[%dma_start3A_67, %dma_start3A_73] : memref<256x128xi32, #tpu.memory_space<vmem>> -> memref<1x128xi32, #tpu.memory_space<vmem>>
    %dma_start3A_75 = tpu.memref_squeeze %dma_start3A_74 : memref<1x128xi32, #tpu.memory_space<vmem>> -> memref<128xi32, #tpu.memory_space<vmem>>
    %dma_start3A_76 = arith.constant 0 : i32
    %dma_start3A_77 = arith.constant 0 : i32
    %dma_start3A_78 = tpu.memref_slice %arg7[%dma_start3A_76, %dma_start3A_77] : memref<25x128xf32, #tpu.memory_space<vmem_shared>> -> memref<25x128xf32, #tpu.memory_space<vmem_shared>>
    tpu.enqueue_indirect_dma source(%dma_start3A_78 : memref<25x128xf32, #tpu.memory_space<vmem_shared>>) target(%dma_start3A_72 : memref<128x128xf32, #tpu.memory_space<vmem>>) offsets(%dma_start3A_75 : memref<128xi32, #tpu.memory_space<vmem>>) semaphore(%arg8 : memref<!tpu.dma_semaphore, #tpu.memory_space<semaphore_mem>>)
    %dma_wait3A_79 = arith.constant 1 : i32
    %dma_wait3A_80 = arith.constant 1 : i32
    %dma_wait3A_81 = arith.constant 0 : i32
    %dma_wait3A_82 = arith.constant 0 : i32
    %dma_wait3A_83 = tpu.memref_slice %arg6[%dma_wait3A_80, %dma_wait3A_81, %dma_wait3A_82] : memref<2x128x128xf32, #tpu.memory_space<vmem>> -> memref<1x128x128xf32, #tpu.memory_space<vmem>>
    %dma_wait3A_84 = tpu.memref_squeeze %dma_wait3A_83 : memref<1x128x128xf32, #tpu.memory_space<vmem>> -> memref<128x128xf32, #tpu.memory_space<vmem>>
    %dma_wait3A_85 = arith.constant 0 : i32
    %dma_wait3A_86 = tpu.memref_slice %arg5[%dma_wait3A_79, %dma_wait3A_85] : memref<256x128xi32, #tpu.memory_space<vmem>> -> memref<1x128xi32, #tpu.memory_space<vmem>>
    %dma_wait3A_87 = tpu.memref_squeeze %dma_wait3A_86 : memref<1x128xi32, #tpu.memory_space<vmem>> -> memref<128xi32, #tpu.memory_space<vmem>>
    %dma_wait3A_88 = arith.constant 0 : i32
    %dma_wait3A_89 = arith.constant 0 : i32
    %dma_wait3A_90 = tpu.memref_slice %arg7[%dma_wait3A_88, %dma_wait3A_89] : memref<25x128xf32, #tpu.memory_space<vmem_shared>> -> memref<25x128xf32, #tpu.memory_space<vmem_shared>>
    tpu.wait_indirect_dma semaphore(%arg8 : memref<!tpu.dma_semaphore, #tpu.memory_space<semaphore_mem>>) src(%dma_wait3A_90 : memref<25x128xf32, #tpu.memory_space<vmem_shared>>) dst(%dma_wait3A_84 : memref<128x128xf32, #tpu.memory_space<vmem>>)
    %add3A_91 = arith.constant 2 : i32
    %add3A_92 = arith.addi %mul3A_2, %add3A_91 : i32
    %add3A_93 = arith.constant 0 : i32
    %add3A_94 = arith.addi %add3A_92, %add3A_93 : i32
    %add3A_95 = arith.constant 1 : i32
    %add3A_96 = arith.addi %add3A_92, %add3A_95 : i32
    %dma_start3A_97 = arith.constant 1 : i32
    %dma_start3A_98 = arith.constant 0 : i32
    %dma_start3A_99 = arith.constant 0 : i32
    %dma_start3A_100 = tpu.memref_slice %arg6[%dma_start3A_97, %dma_start3A_98, %dma_start3A_99] : memref<2x128x128xf32, #tpu.memory_space<vmem>> -> memref<1x50x128xf32, #tpu.memory_space<vmem>>
    %dma_start3A_101 = tpu.memref_squeeze %dma_start3A_100 : memref<1x50x128xf32, #tpu.memory_space<vmem>> -> memref<50x128xf32, #tpu.memory_space<vmem>>
    %dma_start3A_102 = arith.constant 0 : i32
    %dma_start3A_103 = arith.constant 0 : i32
    %dma_start3A_104 = tpu.memref_slice %arg4[%add3A_94, %dma_start3A_102, %dma_start3A_103] : memref<16384x50x128xf32, #tpu.memory_space<hbm>> -> memref<1x50x128xf32, #tpu.memory_space<hbm>>
    %dma_start3A_105 = tpu.memref_squeeze %dma_start3A_104 : memref<1x50x128xf32, #tpu.memory_space<hbm>> -> memref<50x128xf32, #tpu.memory_space<hbm>>
    %dma_start3A_106 = arith.constant 0 : i32
    %dma_start3A_107 = arith.constant 0 : i32
    %dma_start3A_108 = tpu.memref_slice %arg4[%add3A_94, %dma_start3A_106, %dma_start3A_107] : memref<16384x50x128xf32, #tpu.memory_space<hbm>> -> memref<1x50x128xf32, #tpu.memory_space<hbm>>
    %dma_start3A_109 = tpu.memref_squeeze %dma_start3A_108 : memref<1x50x128xf32, #tpu.memory_space<hbm>> -> memref<50x128xf32, #tpu.memory_space<hbm>>
    %dma_start3A_110 = arith.constant 0 : i32
    %dma_start3A_111 = arith.constant 0 : i32
    %dma_start3A_112 = tpu.memref_slice %arg6[%dma_start3A_97, %dma_start3A_110, %dma_start3A_111] : memref<2x128x128xf32, #tpu.memory_space<vmem>> -> memref<1x50x128xf32, #tpu.memory_space<vmem>>
    %dma_start3A_113 = tpu.memref_squeeze %dma_start3A_112 : memref<1x50x128xf32, #tpu.memory_space<vmem>> -> memref<50x128xf32, #tpu.memory_space<vmem>>
    tpu.enqueue_dma source(%dma_start3A_113 : memref<50x128xf32, #tpu.memory_space<vmem>>) target(%dma_start3A_109 : memref<50x128xf32, #tpu.memory_space<hbm>>) target_semaphore(%arg10 : memref<!tpu.dma_semaphore, #tpu.memory_space<semaphore_mem>>)
    %dma_start3A_114 = arith.constant 1 : i32
    %dma_start3A_115 = arith.constant 50 : i32
    %dma_start3A_116 = arith.constant 0 : i32
    %dma_start3A_117 = tpu.memref_slice %arg6[%dma_start3A_114, %dma_start3A_115, %dma_start3A_116] : memref<2x128x128xf32, #tpu.memory_space<vmem>> -> memref<1x50x128xf32, #tpu.memory_space<vmem>>
    %dma_start3A_118 = tpu.memref_squeeze %dma_start3A_117 : memref<1x50x128xf32, #tpu.memory_space<vmem>> -> memref<50x128xf32, #tpu.memory_space<vmem>>
    %dma_start3A_119 = arith.constant 0 : i32
    %dma_start3A_120 = arith.constant 0 : i32
    %dma_start3A_121 = tpu.memref_slice %arg4[%add3A_96, %dma_start3A_119, %dma_start3A_120] : memref<16384x50x128xf32, #tpu.memory_space<hbm>> -> memref<1x50x128xf32, #tpu.memory_space<hbm>>
    %dma_start3A_122 = tpu.memref_squeeze %dma_start3A_121 : memref<1x50x128xf32, #tpu.memory_space<hbm>> -> memref<50x128xf32, #tpu.memory_space<hbm>>
    %dma_start3A_123 = arith.constant 0 : i32
    %dma_start3A_124 = arith.constant 0 : i32
    %dma_start3A_125 = tpu.memref_slice %arg4[%add3A_96, %dma_start3A_123, %dma_start3A_124] : memref<16384x50x128xf32, #tpu.memory_space<hbm>> -> memref<1x50x128xf32, #tpu.memory_space<hbm>>
    %dma_start3A_126 = tpu.memref_squeeze %dma_start3A_125 : memref<1x50x128xf32, #tpu.memory_space<hbm>> -> memref<50x128xf32, #tpu.memory_space<hbm>>
    %dma_start3A_127 = arith.constant 50 : i32
    %dma_start3A_128 = arith.constant 0 : i32
    %dma_start3A_129 = tpu.memref_slice %arg6[%dma_start3A_114, %dma_start3A_127, %dma_start3A_128] : memref<2x128x128xf32, #tpu.memory_space<vmem>> -> memref<1x50x128xf32, #tpu.memory_space<vmem>>
    %dma_start3A_130 = tpu.memref_squeeze %dma_start3A_129 : memref<1x50x128xf32, #tpu.memory_space<vmem>> -> memref<50x128xf32, #tpu.memory_space<vmem>>
    tpu.enqueue_dma source(%dma_start3A_130 : memref<50x128xf32, #tpu.memory_space<vmem>>) target(%dma_start3A_126 : memref<50x128xf32, #tpu.memory_space<hbm>>) target_semaphore(%arg10 : memref<!tpu.dma_semaphore, #tpu.memory_space<semaphore_mem>>)
    %scan3A = arith.constant 0 : i32
    %scan3A_131 = arith.constant 127 : i32
    %scan3A_132 = arith.addi %scan3A, %scan3A_131 : i32
    %scan3A_133 = arith.constant 1 : i32
    scf.for %scan3A_215 = %scan3A to %scan3A_132 step %scan3A_133  : i32 {
      %mul3A_216 = arith.constant 2 : i32
      %mul3A_217 = arith.muli %scan3A_215, %mul3A_216 : i32
      %add3A_218 = arith.constant 2 : i32
      %add3A_219 = arith.addi %add3A_218, %mul3A_217 : i32
      %add3A_220 = arith.constant 0 : i32
      %add3A_221 = arith.addi %add3A_219, %add3A_220 : i32
      %sub3A = arith.constant 2 : i32
      %sub3A_222 = arith.subi %add3A_221, %sub3A : i32
      %mul3A_223 = arith.constant 2 : i32
      %mul3A_224 = arith.muli %sub3A_222, %mul3A_223 : i32
      %add3A_225 = arith.addi %mul3A_2, %mul3A_224 : i32
      %add3A_226 = arith.constant 0 : i32
      %add3A_227 = arith.addi %add3A_225, %add3A_226 : i32
      %add3A_228 = arith.constant 1 : i32
      %add3A_229 = arith.addi %add3A_225, %add3A_228 : i32
      %dma_wait3A_230 = arith.constant 0 : i32
      %dma_wait3A_231 = arith.constant 0 : i32
      %dma_wait3A_232 = arith.constant 0 : i32
      %dma_wait3A_233 = tpu.memref_slice %arg6[%dma_wait3A_230, %dma_wait3A_231, %dma_wait3A_232] : memref<2x128x128xf32, #tpu.memory_space<vmem>> -> memref<1x50x128xf32, #tpu.memory_space<vmem>>
      %dma_wait3A_234 = tpu.memref_squeeze %dma_wait3A_233 : memref<1x50x128xf32, #tpu.memory_space<vmem>> -> memref<50x128xf32, #tpu.memory_space<vmem>>
      %dma_wait3A_235 = arith.constant 0 : i32
      %dma_wait3A_236 = arith.constant 0 : i32
      %dma_wait3A_237 = tpu.memref_slice %arg4[%add3A_227, %dma_wait3A_235, %dma_wait3A_236] : memref<16384x50x128xf32, #tpu.memory_space<hbm>> -> memref<1x50x128xf32, #tpu.memory_space<hbm>>
      %dma_wait3A_238 = tpu.memref_squeeze %dma_wait3A_237 : memref<1x50x128xf32, #tpu.memory_space<hbm>> -> memref<50x128xf32, #tpu.memory_space<hbm>>
      %dma_wait3A_239 = arith.constant 0 : i32
      %dma_wait3A_240 = arith.constant 0 : i32
      %dma_wait3A_241 = tpu.memref_slice %arg4[%add3A_227, %dma_wait3A_239, %dma_wait3A_240] : memref<16384x50x128xf32, #tpu.memory_space<hbm>> -> memref<1x50x128xf32, #tpu.memory_space<hbm>>
      %dma_wait3A_242 = tpu.memref_squeeze %dma_wait3A_241 : memref<1x50x128xf32, #tpu.memory_space<hbm>> -> memref<50x128xf32, #tpu.memory_space<hbm>>
      %dma_wait3A_243 = arith.constant 0 : i32
      %dma_wait3A_244 = arith.constant 0 : i32
      %dma_wait3A_245 = tpu.memref_slice %arg6[%dma_wait3A_230, %dma_wait3A_243, %dma_wait3A_244] : memref<2x128x128xf32, #tpu.memory_space<vmem>> -> memref<1x50x128xf32, #tpu.memory_space<vmem>>
      %dma_wait3A_246 = tpu.memref_squeeze %dma_wait3A_245 : memref<1x50x128xf32, #tpu.memory_space<vmem>> -> memref<50x128xf32, #tpu.memory_space<vmem>>
      tpu.wait_dma2 semaphore(%arg9 : memref<!tpu.dma_semaphore, #tpu.memory_space<semaphore_mem>>) src(%dma_wait3A_246 : memref<50x128xf32, #tpu.memory_space<vmem>>) dst(%dma_wait3A_242 : memref<50x128xf32, #tpu.memory_space<hbm>>)
      %dma_wait3A_247 = arith.constant 0 : i32
      %dma_wait3A_248 = arith.constant 50 : i32
      %dma_wait3A_249 = arith.constant 0 : i32
      %dma_wait3A_250 = tpu.memref_slice %arg6[%dma_wait3A_247, %dma_wait3A_248, %dma_wait3A_249] : memref<2x128x128xf32, #tpu.memory_space<vmem>> -> memref<1x50x128xf32, #tpu.memory_space<vmem>>
      %dma_wait3A_251 = tpu.memref_squeeze %dma_wait3A_250 : memref<1x50x128xf32, #tpu.memory_space<vmem>> -> memref<50x128xf32, #tpu.memory_space<vmem>>
      %dma_wait3A_252 = arith.constant 0 : i32
      %dma_wait3A_253 = arith.constant 0 : i32
      %dma_wait3A_254 = tpu.memref_slice %arg4[%add3A_229, %dma_wait3A_252, %dma_wait3A_253] : memref<16384x50x128xf32, #tpu.memory_space<hbm>> -> memref<1x50x128xf32, #tpu.memory_space<hbm>>
      %dma_wait3A_255 = tpu.memref_squeeze %dma_wait3A_254 : memref<1x50x128xf32, #tpu.memory_space<hbm>> -> memref<50x128xf32, #tpu.memory_space<hbm>>
      %dma_wait3A_256 = arith.constant 0 : i32
      %dma_wait3A_257 = arith.constant 0 : i32
      %dma_wait3A_258 = tpu.memref_slice %arg4[%add3A_229, %dma_wait3A_256, %dma_wait3A_257] : memref<16384x50x128xf32, #tpu.memory_space<hbm>> -> memref<1x50x128xf32, #tpu.memory_space<hbm>>
      %dma_wait3A_259 = tpu.memref_squeeze %dma_wait3A_258 : memref<1x50x128xf32, #tpu.memory_space<hbm>> -> memref<50x128xf32, #tpu.memory_space<hbm>>
      %dma_wait3A_260 = arith.constant 50 : i32
      %dma_wait3A_261 = arith.constant 0 : i32
      %dma_wait3A_262 = tpu.memref_slice %arg6[%dma_wait3A_247, %dma_wait3A_260, %dma_wait3A_261] : memref<2x128x128xf32, #tpu.memory_space<vmem>> -> memref<1x50x128xf32, #tpu.memory_space<vmem>>
      %dma_wait3A_263 = tpu.memref_squeeze %dma_wait3A_262 : memref<1x50x128xf32, #tpu.memory_space<vmem>> -> memref<50x128xf32, #tpu.memory_space<vmem>>
      tpu.wait_dma2 semaphore(%arg9 : memref<!tpu.dma_semaphore, #tpu.memory_space<semaphore_mem>>) src(%dma_wait3A_263 : memref<50x128xf32, #tpu.memory_space<vmem>>) dst(%dma_wait3A_259 : memref<50x128xf32, #tpu.memory_space<hbm>>)
      %dma_start3A_264 = arith.constant 0 : i32
      %dma_start3A_265 = arith.constant 0 : i32
      %dma_start3A_266 = arith.constant 0 : i32
      %dma_start3A_267 = tpu.memref_slice %arg6[%dma_start3A_264, %dma_start3A_265, %dma_start3A_266] : memref<2x128x128xf32, #tpu.memory_space<vmem>> -> memref<1x128x128xf32, #tpu.memory_space<vmem>>
      %dma_start3A_268 = tpu.memref_squeeze %dma_start3A_267 : memref<1x128x128xf32, #tpu.memory_space<vmem>> -> memref<128x128xf32, #tpu.memory_space<vmem>>
      %dma_start3A_269 = arith.constant 0 : i32
      %dma_start3A_270 = tpu.memref_slice %arg5[%add3A_221, %dma_start3A_269] : memref<256x128xi32, #tpu.memory_space<vmem>> -> memref<1x128xi32, #tpu.memory_space<vmem>>
      %dma_start3A_271 = tpu.memref_squeeze %dma_start3A_270 : memref<1x128xi32, #tpu.memory_space<vmem>> -> memref<128xi32, #tpu.memory_space<vmem>>
      %dma_start3A_272 = arith.constant 0 : i32
      %dma_start3A_273 = arith.constant 0 : i32
      %dma_start3A_274 = tpu.memref_slice %arg7[%dma_start3A_272, %dma_start3A_273] : memref<25x128xf32, #tpu.memory_space<vmem_shared>> -> memref<25x128xf32, #tpu.memory_space<vmem_shared>>
      tpu.enqueue_indirect_dma source(%dma_start3A_274 : memref<25x128xf32, #tpu.memory_space<vmem_shared>>) target(%dma_start3A_268 : memref<128x128xf32, #tpu.memory_space<vmem>>) offsets(%dma_start3A_271 : memref<128xi32, #tpu.memory_space<vmem>>) semaphore(%arg8 : memref<!tpu.dma_semaphore, #tpu.memory_space<semaphore_mem>>)
      %dma_wait3A_275 = arith.constant 0 : i32
      %dma_wait3A_276 = arith.constant 0 : i32
      %dma_wait3A_277 = arith.constant 0 : i32
      %dma_wait3A_278 = tpu.memref_slice %arg6[%dma_wait3A_275, %dma_wait3A_276, %dma_wait3A_277] : memref<2x128x128xf32, #tpu.memory_space<vmem>> -> memref<1x128x128xf32, #tpu.memory_space<vmem>>
      %dma_wait3A_279 = tpu.memref_squeeze %dma_wait3A_278 : memref<1x128x128xf32, #tpu.memory_space<vmem>> -> memref<128x128xf32, #tpu.memory_space<vmem>>
      %dma_wait3A_280 = arith.constant 0 : i32
      %dma_wait3A_281 = tpu.memref_slice %arg5[%add3A_221, %dma_wait3A_280] : memref<256x128xi32, #tpu.memory_space<vmem>> -> memref<1x128xi32, #tpu.memory_space<vmem>>
      %dma_wait3A_282 = tpu.memref_squeeze %dma_wait3A_281 : memref<1x128xi32, #tpu.memory_space<vmem>> -> memref<128xi32, #tpu.memory_space<vmem>>
      %dma_wait3A_283 = arith.constant 0 : i32
      %dma_wait3A_284 = arith.constant 0 : i32
      %dma_wait3A_285 = tpu.memref_slice %arg7[%dma_wait3A_283, %dma_wait3A_284] : memref<25x128xf32, #tpu.memory_space<vmem_shared>> -> memref<25x128xf32, #tpu.memory_space<vmem_shared>>
      tpu.wait_indirect_dma semaphore(%arg8 : memref<!tpu.dma_semaphore, #tpu.memory_space<semaphore_mem>>) src(%dma_wait3A_285 : memref<25x128xf32, #tpu.memory_space<vmem_shared>>) dst(%dma_wait3A_279 : memref<128x128xf32, #tpu.memory_space<vmem>>)
      %mul3A_286 = arith.constant 2 : i32
      %mul3A_287 = arith.muli %add3A_221, %mul3A_286 : i32
      %add3A_288 = arith.addi %mul3A_2, %mul3A_287 : i32
      %add3A_289 = arith.constant 0 : i32
      %add3A_290 = arith.addi %add3A_288, %add3A_289 : i32
      %add3A_291 = arith.constant 1 : i32
      %add3A_292 = arith.addi %add3A_288, %add3A_291 : i32
      %dma_start3A_293 = arith.constant 0 : i32
      %dma_start3A_294 = arith.constant 0 : i32
      %dma_start3A_295 = arith.constant 0 : i32
      %dma_start3A_296 = tpu.memref_slice %arg6[%dma_start3A_293, %dma_start3A_294, %dma_start3A_295] : memref<2x128x128xf32, #tpu.memory_space<vmem>> -> memref<1x50x128xf32, #tpu.memory_space<vmem>>
      %dma_start3A_297 = tpu.memref_squeeze %dma_start3A_296 : memref<1x50x128xf32, #tpu.memory_space<vmem>> -> memref<50x128xf32, #tpu.memory_space<vmem>>
      %dma_start3A_298 = arith.constant 0 : i32
      %dma_start3A_299 = arith.constant 0 : i32
      %dma_start3A_300 = tpu.memref_slice %arg4[%add3A_290, %dma_start3A_298, %dma_start3A_299] : memref<16384x50x128xf32, #tpu.memory_space<hbm>> -> memref<1x50x128xf32, #tpu.memory_space<hbm>>
      %dma_start3A_301 = tpu.memref_squeeze %dma_start3A_300 : memref<1x50x128xf32, #tpu.memory_space<hbm>> -> memref<50x128xf32, #tpu.memory_space<hbm>>
      %dma_start3A_302 = arith.constant 0 : i32
      %dma_start3A_303 = arith.constant 0 : i32
      %dma_start3A_304 = tpu.memref_slice %arg4[%add3A_290, %dma_start3A_302, %dma_start3A_303] : memref<16384x50x128xf32, #tpu.memory_space<hbm>> -> memref<1x50x128xf32, #tpu.memory_space<hbm>>
      %dma_start3A_305 = tpu.memref_squeeze %dma_start3A_304 : memref<1x50x128xf32, #tpu.memory_space<hbm>> -> memref<50x128xf32, #tpu.memory_space<hbm>>
      %dma_start3A_306 = arith.constant 0 : i32
      %dma_start3A_307 = arith.constant 0 : i32
      %dma_start3A_308 = tpu.memref_slice %arg6[%dma_start3A_293, %dma_start3A_306, %dma_start3A_307] : memref<2x128x128xf32, #tpu.memory_space<vmem>> -> memref<1x50x128xf32, #tpu.memory_space<vmem>>
      %dma_start3A_309 = tpu.memref_squeeze %dma_start3A_308 : memref<1x50x128xf32, #tpu.memory_space<vmem>> -> memref<50x128xf32, #tpu.memory_space<vmem>>
      tpu.enqueue_dma source(%dma_start3A_309 : memref<50x128xf32, #tpu.memory_space<vmem>>) target(%dma_start3A_305 : memref<50x128xf32, #tpu.memory_space<hbm>>) target_semaphore(%arg9 : memref<!tpu.dma_semaphore, #tpu.memory_space<semaphore_mem>>)
      %dma_start3A_310 = arith.constant 0 : i32
      %dma_start3A_311 = arith.constant 50 : i32
      %dma_start3A_312 = arith.constant 0 : i32
      %dma_start3A_313 = tpu.memref_slice %arg6[%dma_start3A_310, %dma_start3A_311, %dma_start3A_312] : memref<2x128x128xf32, #tpu.memory_space<vmem>> -> memref<1x50x128xf32, #tpu.memory_space<vmem>>
      %dma_start3A_314 = tpu.memref_squeeze %dma_start3A_313 : memref<1x50x128xf32, #tpu.memory_space<vmem>> -> memref<50x128xf32, #tpu.memory_space<vmem>>
      %dma_start3A_315 = arith.constant 0 : i32
      %dma_start3A_316 = arith.constant 0 : i32
      %dma_start3A_317 = tpu.memref_slice %arg4[%add3A_292, %dma_start3A_315, %dma_start3A_316] : memref<16384x50x128xf32, #tpu.memory_space<hbm>> -> memref<1x50x128xf32, #tpu.memory_space<hbm>>
      %dma_start3A_318 = tpu.memref_squeeze %dma_start3A_317 : memref<1x50x128xf32, #tpu.memory_space<hbm>> -> memref<50x128xf32, #tpu.memory_space<hbm>>
      %dma_start3A_319 = arith.constant 0 : i32
      %dma_start3A_320 = arith.constant 0 : i32
      %dma_start3A_321 = tpu.memref_slice %arg4[%add3A_292, %dma_start3A_319, %dma_start3A_320] : memref<16384x50x128xf32, #tpu.memory_space<hbm>> -> memref<1x50x128xf32, #tpu.memory_space<hbm>>
      %dma_start3A_322 = tpu.memref_squeeze %dma_start3A_321 : memref<1x50x128xf32, #tpu.memory_space<hbm>> -> memref<50x128xf32, #tpu.memory_space<hbm>>
      %dma_start3A_323 = arith.constant 50 : i32
      %dma_start3A_324 = arith.constant 0 : i32
      %dma_start3A_325 = tpu.memref_slice %arg6[%dma_start3A_310, %dma_start3A_323, %dma_start3A_324] : memref<2x128x128xf32, #tpu.memory_space<vmem>> -> memref<1x50x128xf32, #tpu.memory_space<vmem>>
      %dma_start3A_326 = tpu.memref_squeeze %dma_start3A_325 : memref<1x50x128xf32, #tpu.memory_space<vmem>> -> memref<50x128xf32, #tpu.memory_space<vmem>>
      tpu.enqueue_dma source(%dma_start3A_326 : memref<50x128xf32, #tpu.memory_space<vmem>>) target(%dma_start3A_322 : memref<50x128xf32, #tpu.memory_space<hbm>>) target_semaphore(%arg9 : memref<!tpu.dma_semaphore, #tpu.memory_space<semaphore_mem>>)
      %add3A_327 = arith.constant 1 : i32
      %add3A_328 = arith.addi %add3A_219, %add3A_327 : i32
      %sub3A_329 = arith.constant 2 : i32
      %sub3A_330 = arith.subi %add3A_328, %sub3A_329 : i32
      %mul3A_331 = arith.constant 2 : i32
      %mul3A_332 = arith.muli %sub3A_330, %mul3A_331 : i32
      %add3A_333 = arith.addi %mul3A_2, %mul3A_332 : i32
      %add3A_334 = arith.constant 0 : i32
      %add3A_335 = arith.addi %add3A_333, %add3A_334 : i32
      %add3A_336 = arith.constant 1 : i32
      %add3A_337 = arith.addi %add3A_333, %add3A_336 : i32
      %dma_wait3A_338 = arith.constant 1 : i32
      %dma_wait3A_339 = arith.constant 0 : i32
      %dma_wait3A_340 = arith.constant 0 : i32
      %dma_wait3A_341 = tpu.memref_slice %arg6[%dma_wait3A_338, %dma_wait3A_339, %dma_wait3A_340] : memref<2x128x128xf32, #tpu.memory_space<vmem>> -> memref<1x50x128xf32, #tpu.memory_space<vmem>>
      %dma_wait3A_342 = tpu.memref_squeeze %dma_wait3A_341 : memref<1x50x128xf32, #tpu.memory_space<vmem>> -> memref<50x128xf32, #tpu.memory_space<vmem>>
      %dma_wait3A_343 = arith.constant 0 : i32
      %dma_wait3A_344 = arith.constant 0 : i32
      %dma_wait3A_345 = tpu.memref_slice %arg4[%add3A_335, %dma_wait3A_343, %dma_wait3A_344] : memref<16384x50x128xf32, #tpu.memory_space<hbm>> -> memref<1x50x128xf32, #tpu.memory_space<hbm>>
      %dma_wait3A_346 = tpu.memref_squeeze %dma_wait3A_345 : memref<1x50x128xf32, #tpu.memory_space<hbm>> -> memref<50x128xf32, #tpu.memory_space<hbm>>
      %dma_wait3A_347 = arith.constant 0 : i32
      %dma_wait3A_348 = arith.constant 0 : i32
      %dma_wait3A_349 = tpu.memref_slice %arg4[%add3A_335, %dma_wait3A_347, %dma_wait3A_348] : memref<16384x50x128xf32, #tpu.memory_space<hbm>> -> memref<1x50x128xf32, #tpu.memory_space<hbm>>
      %dma_wait3A_350 = tpu.memref_squeeze %dma_wait3A_349 : memref<1x50x128xf32, #tpu.memory_space<hbm>> -> memref<50x128xf32, #tpu.memory_space<hbm>>
      %dma_wait3A_351 = arith.constant 0 : i32
      %dma_wait3A_352 = arith.constant 0 : i32
      %dma_wait3A_353 = tpu.memref_slice %arg6[%dma_wait3A_338, %dma_wait3A_351, %dma_wait3A_352] : memref<2x128x128xf32, #tpu.memory_space<vmem>> -> memref<1x50x128xf32, #tpu.memory_space<vmem>>
      %dma_wait3A_354 = tpu.memref_squeeze %dma_wait3A_353 : memref<1x50x128xf32, #tpu.memory_space<vmem>> -> memref<50x128xf32, #tpu.memory_space<vmem>>
      tpu.wait_dma2 semaphore(%arg10 : memref<!tpu.dma_semaphore, #tpu.memory_space<semaphore_mem>>) src(%dma_wait3A_354 : memref<50x128xf32, #tpu.memory_space<vmem>>) dst(%dma_wait3A_350 : memref<50x128xf32, #tpu.memory_space<hbm>>)
      %dma_wait3A_355 = arith.constant 1 : i32
      %dma_wait3A_356 = arith.constant 50 : i32
      %dma_wait3A_357 = arith.constant 0 : i32
      %dma_wait3A_358 = tpu.memref_slice %arg6[%dma_wait3A_355, %dma_wait3A_356, %dma_wait3A_357] : memref<2x128x128xf32, #tpu.memory_space<vmem>> -> memref<1x50x128xf32, #tpu.memory_space<vmem>>
      %dma_wait3A_359 = tpu.memref_squeeze %dma_wait3A_358 : memref<1x50x128xf32, #tpu.memory_space<vmem>> -> memref<50x128xf32, #tpu.memory_space<vmem>>
      %dma_wait3A_360 = arith.constant 0 : i32
      %dma_wait3A_361 = arith.constant 0 : i32
      %dma_wait3A_362 = tpu.memref_slice %arg4[%add3A_337, %dma_wait3A_360, %dma_wait3A_361] : memref<16384x50x128xf32, #tpu.memory_space<hbm>> -> memref<1x50x128xf32, #tpu.memory_space<hbm>>
      %dma_wait3A_363 = tpu.memref_squeeze %dma_wait3A_362 : memref<1x50x128xf32, #tpu.memory_space<hbm>> -> memref<50x128xf32, #tpu.memory_space<hbm>>
      %dma_wait3A_364 = arith.constant 0 : i32
      %dma_wait3A_365 = arith.constant 0 : i32
      %dma_wait3A_366 = tpu.memref_slice %arg4[%add3A_337, %dma_wait3A_364, %dma_wait3A_365] : memref<16384x50x128xf32, #tpu.memory_space<hbm>> -> memref<1x50x128xf32, #tpu.memory_space<hbm>>
      %dma_wait3A_367 = tpu.memref_squeeze %dma_wait3A_366 : memref<1x50x128xf32, #tpu.memory_space<hbm>> -> memref<50x128xf32, #tpu.memory_space<hbm>>
      %dma_wait3A_368 = arith.constant 50 : i32
      %dma_wait3A_369 = arith.constant 0 : i32
      %dma_wait3A_370 = tpu.memref_slice %arg6[%dma_wait3A_355, %dma_wait3A_368, %dma_wait3A_369] : memref<2x128x128xf32, #tpu.memory_space<vmem>> -> memref<1x50x128xf32, #tpu.memory_space<vmem>>
      %dma_wait3A_371 = tpu.memref_squeeze %dma_wait3A_370 : memref<1x50x128xf32, #tpu.memory_space<vmem>> -> memref<50x128xf32, #tpu.memory_space<vmem>>
      tpu.wait_dma2 semaphore(%arg10 : memref<!tpu.dma_semaphore, #tpu.memory_space<semaphore_mem>>) src(%dma_wait3A_371 : memref<50x128xf32, #tpu.memory_space<vmem>>) dst(%dma_wait3A_367 : memref<50x128xf32, #tpu.memory_space<hbm>>)
      %dma_start3A_372 = arith.constant 1 : i32
      %dma_start3A_373 = arith.constant 0 : i32
      %dma_start3A_374 = arith.constant 0 : i32
      %dma_start3A_375 = tpu.memref_slice %arg6[%dma_start3A_372, %dma_start3A_373, %dma_start3A_374] : memref<2x128x128xf32, #tpu.memory_space<vmem>> -> memref<1x128x128xf32, #tpu.memory_space<vmem>>
      %dma_start3A_376 = tpu.memref_squeeze %dma_start3A_375 : memref<1x128x128xf32, #tpu.memory_space<vmem>> -> memref<128x128xf32, #tpu.memory_space<vmem>>
      %dma_start3A_377 = arith.constant 0 : i32
      %dma_start3A_378 = tpu.memref_slice %arg5[%add3A_328, %dma_start3A_377] : memref<256x128xi32, #tpu.memory_space<vmem>> -> memref<1x128xi32, #tpu.memory_space<vmem>>
      %dma_start3A_379 = tpu.memref_squeeze %dma_start3A_378 : memref<1x128xi32, #tpu.memory_space<vmem>> -> memref<128xi32, #tpu.memory_space<vmem>>
      %dma_start3A_380 = arith.constant 0 : i32
      %dma_start3A_381 = arith.constant 0 : i32
      %dma_start3A_382 = tpu.memref_slice %arg7[%dma_start3A_380, %dma_start3A_381] : memref<25x128xf32, #tpu.memory_space<vmem_shared>> -> memref<25x128xf32, #tpu.memory_space<vmem_shared>>
      tpu.enqueue_indirect_dma source(%dma_start3A_382 : memref<25x128xf32, #tpu.memory_space<vmem_shared>>) target(%dma_start3A_376 : memref<128x128xf32, #tpu.memory_space<vmem>>) offsets(%dma_start3A_379 : memref<128xi32, #tpu.memory_space<vmem>>) semaphore(%arg8 : memref<!tpu.dma_semaphore, #tpu.memory_space<semaphore_mem>>)
      %dma_wait3A_383 = arith.constant 1 : i32
      %dma_wait3A_384 = arith.constant 0 : i32
      %dma_wait3A_385 = arith.constant 0 : i32
      %dma_wait3A_386 = tpu.memref_slice %arg6[%dma_wait3A_383, %dma_wait3A_384, %dma_wait3A_385] : memref<2x128x128xf32, #tpu.memory_space<vmem>> -> memref<1x128x128xf32, #tpu.memory_space<vmem>>
      %dma_wait3A_387 = tpu.memref_squeeze %dma_wait3A_386 : memref<1x128x128xf32, #tpu.memory_space<vmem>> -> memref<128x128xf32, #tpu.memory_space<vmem>>
      %dma_wait3A_388 = arith.constant 0 : i32
      %dma_wait3A_389 = tpu.memref_slice %arg5[%add3A_328, %dma_wait3A_388] : memref<256x128xi32, #tpu.memory_space<vmem>> -> memref<1x128xi32, #tpu.memory_space<vmem>>
      %dma_wait3A_390 = tpu.memref_squeeze %dma_wait3A_389 : memref<1x128xi32, #tpu.memory_space<vmem>> -> memref<128xi32, #tpu.memory_space<vmem>>
      %dma_wait3A_391 = arith.constant 0 : i32
      %dma_wait3A_392 = arith.constant 0 : i32
      %dma_wait3A_393 = tpu.memref_slice %arg7[%dma_wait3A_391, %dma_wait3A_392] : memref<25x128xf32, #tpu.memory_space<vmem_shared>> -> memref<25x128xf32, #tpu.memory_space<vmem_shared>>
      tpu.wait_indirect_dma semaphore(%arg8 : memref<!tpu.dma_semaphore, #tpu.memory_space<semaphore_mem>>) src(%dma_wait3A_393 : memref<25x128xf32, #tpu.memory_space<vmem_shared>>) dst(%dma_wait3A_387 : memref<128x128xf32, #tpu.memory_space<vmem>>)
      %mul3A_394 = arith.constant 2 : i32
      %mul3A_395 = arith.muli %add3A_328, %mul3A_394 : i32
      %add3A_396 = arith.addi %mul3A_2, %mul3A_395 : i32
      %add3A_397 = arith.constant 0 : i32
      %add3A_398 = arith.addi %add3A_396, %add3A_397 : i32
      %add3A_399 = arith.constant 1 : i32
      %add3A_400 = arith.addi %add3A_396, %add3A_399 : i32
      %dma_start3A_401 = arith.constant 1 : i32
      %dma_start3A_402 = arith.constant 0 : i32
      %dma_start3A_403 = arith.constant 0 : i32
      %dma_start3A_404 = tpu.memref_slice %arg6[%dma_start3A_401, %dma_start3A_402, %dma_start3A_403] : memref<2x128x128xf32, #tpu.memory_space<vmem>> -> memref<1x50x128xf32, #tpu.memory_space<vmem>>
      %dma_start3A_405 = tpu.memref_squeeze %dma_start3A_404 : memref<1x50x128xf32, #tpu.memory_space<vmem>> -> memref<50x128xf32, #tpu.memory_space<vmem>>
      %dma_start3A_406 = arith.constant 0 : i32
      %dma_start3A_407 = arith.constant 0 : i32
      %dma_start3A_408 = tpu.memref_slice %arg4[%add3A_398, %dma_start3A_406, %dma_start3A_407] : memref<16384x50x128xf32, #tpu.memory_space<hbm>> -> memref<1x50x128xf32, #tpu.memory_space<hbm>>
      %dma_start3A_409 = tpu.memref_squeeze %dma_start3A_408 : memref<1x50x128xf32, #tpu.memory_space<hbm>> -> memref<50x128xf32, #tpu.memory_space<hbm>>
      %dma_start3A_410 = arith.constant 0 : i32
      %dma_start3A_411 = arith.constant 0 : i32
      %dma_start3A_412 = tpu.memref_slice %arg4[%add3A_398, %dma_start3A_410, %dma_start3A_411] : memref<16384x50x128xf32, #tpu.memory_space<hbm>> -> memref<1x50x128xf32, #tpu.memory_space<hbm>>
      %dma_start3A_413 = tpu.memref_squeeze %dma_start3A_412 : memref<1x50x128xf32, #tpu.memory_space<hbm>> -> memref<50x128xf32, #tpu.memory_space<hbm>>
      %dma_start3A_414 = arith.constant 0 : i32
      %dma_start3A_415 = arith.constant 0 : i32
      %dma_start3A_416 = tpu.memref_slice %arg6[%dma_start3A_401, %dma_start3A_414, %dma_start3A_415] : memref<2x128x128xf32, #tpu.memory_space<vmem>> -> memref<1x50x128xf32, #tpu.memory_space<vmem>>
      %dma_start3A_417 = tpu.memref_squeeze %dma_start3A_416 : memref<1x50x128xf32, #tpu.memory_space<vmem>> -> memref<50x128xf32, #tpu.memory_space<vmem>>
      tpu.enqueue_dma source(%dma_start3A_417 : memref<50x128xf32, #tpu.memory_space<vmem>>) target(%dma_start3A_413 : memref<50x128xf32, #tpu.memory_space<hbm>>) target_semaphore(%arg10 : memref<!tpu.dma_semaphore, #tpu.memory_space<semaphore_mem>>)
      %dma_start3A_418 = arith.constant 1 : i32
      %dma_start3A_419 = arith.constant 50 : i32
      %dma_start3A_420 = arith.constant 0 : i32
      %dma_start3A_421 = tpu.memref_slice %arg6[%dma_start3A_418, %dma_start3A_419, %dma_start3A_420] : memref<2x128x128xf32, #tpu.memory_space<vmem>> -> memref<1x50x128xf32, #tpu.memory_space<vmem>>
      %dma_start3A_422 = tpu.memref_squeeze %dma_start3A_421 : memref<1x50x128xf32, #tpu.memory_space<vmem>> -> memref<50x128xf32, #tpu.memory_space<vmem>>
      %dma_start3A_423 = arith.constant 0 : i32
      %dma_start3A_424 = arith.constant 0 : i32
      %dma_start3A_425 = tpu.memref_slice %arg4[%add3A_400, %dma_start3A_423, %dma_start3A_424] : memref<16384x50x128xf32, #tpu.memory_space<hbm>> -> memref<1x50x128xf32, #tpu.memory_space<hbm>>
      %dma_start3A_426 = tpu.memref_squeeze %dma_start3A_425 : memref<1x50x128xf32, #tpu.memory_space<hbm>> -> memref<50x128xf32, #tpu.memory_space<hbm>>
      %dma_start3A_427 = arith.constant 0 : i32
      %dma_start3A_428 = arith.constant 0 : i32
      %dma_start3A_429 = tpu.memref_slice %arg4[%add3A_400, %dma_start3A_427, %dma_start3A_428] : memref<16384x50x128xf32, #tpu.memory_space<hbm>> -> memref<1x50x128xf32, #tpu.memory_space<hbm>>
      %dma_start3A_430 = tpu.memref_squeeze %dma_start3A_429 : memref<1x50x128xf32, #tpu.memory_space<hbm>> -> memref<50x128xf32, #tpu.memory_space<hbm>>
      %dma_start3A_431 = arith.constant 50 : i32
      %dma_start3A_432 = arith.constant 0 : i32
      %dma_start3A_433 = tpu.memref_slice %arg6[%dma_start3A_418, %dma_start3A_431, %dma_start3A_432] : memref<2x128x128xf32, #tpu.memory_space<vmem>> -> memref<1x50x128xf32, #tpu.memory_space<vmem>>
      %dma_start3A_434 = tpu.memref_squeeze %dma_start3A_433 : memref<1x50x128xf32, #tpu.memory_space<vmem>> -> memref<50x128xf32, #tpu.memory_space<vmem>>
      tpu.enqueue_dma source(%dma_start3A_434 : memref<50x128xf32, #tpu.memory_space<vmem>>) target(%dma_start3A_430 : memref<50x128xf32, #tpu.memory_space<hbm>>) target_semaphore(%arg10 : memref<!tpu.dma_semaphore, #tpu.memory_space<semaphore_mem>>)
    }
    %scan3A_134 = arith.constant 127 : i32
    %add3A_135 = arith.constant 508 : i32
    %add3A_136 = arith.addi %mul3A_2, %add3A_135 : i32
    %add3A_137 = arith.constant 0 : i32
    %add3A_138 = arith.addi %add3A_136, %add3A_137 : i32
    %add3A_139 = arith.constant 1 : i32
    %add3A_140 = arith.addi %add3A_136, %add3A_139 : i32
    %dma_wait3A_141 = arith.constant 0 : i32
    %dma_wait3A_142 = arith.constant 0 : i32
    %dma_wait3A_143 = arith.constant 0 : i32
    %dma_wait3A_144 = tpu.memref_slice %arg6[%dma_wait3A_141, %dma_wait3A_142, %dma_wait3A_143] : memref<2x128x128xf32, #tpu.memory_space<vmem>> -> memref<1x50x128xf32, #tpu.memory_space<vmem>>
    %dma_wait3A_145 = tpu.memref_squeeze %dma_wait3A_144 : memref<1x50x128xf32, #tpu.memory_space<vmem>> -> memref<50x128xf32, #tpu.memory_space<vmem>>
    %dma_wait3A_146 = arith.constant 0 : i32
    %dma_wait3A_147 = arith.constant 0 : i32
    %dma_wait3A_148 = tpu.memref_slice %arg4[%add3A_138, %dma_wait3A_146, %dma_wait3A_147] : memref<16384x50x128xf32, #tpu.memory_space<hbm>> -> memref<1x50x128xf32, #tpu.memory_space<hbm>>
    %dma_wait3A_149 = tpu.memref_squeeze %dma_wait3A_148 : memref<1x50x128xf32, #tpu.memory_space<hbm>> -> memref<50x128xf32, #tpu.memory_space<hbm>>
    %dma_wait3A_150 = arith.constant 0 : i32
    %dma_wait3A_151 = arith.constant 0 : i32
    %dma_wait3A_152 = tpu.memref_slice %arg4[%add3A_138, %dma_wait3A_150, %dma_wait3A_151] : memref<16384x50x128xf32, #tpu.memory_space<hbm>> -> memref<1x50x128xf32, #tpu.memory_space<hbm>>
    %dma_wait3A_153 = tpu.memref_squeeze %dma_wait3A_152 : memref<1x50x128xf32, #tpu.memory_space<hbm>> -> memref<50x128xf32, #tpu.memory_space<hbm>>
    %dma_wait3A_154 = arith.constant 0 : i32
    %dma_wait3A_155 = arith.constant 0 : i32
    %dma_wait3A_156 = tpu.memref_slice %arg6[%dma_wait3A_141, %dma_wait3A_154, %dma_wait3A_155] : memref<2x128x128xf32, #tpu.memory_space<vmem>> -> memref<1x50x128xf32, #tpu.memory_space<vmem>>
    %dma_wait3A_157 = tpu.memref_squeeze %dma_wait3A_156 : memref<1x50x128xf32, #tpu.memory_space<vmem>> -> memref<50x128xf32, #tpu.memory_space<vmem>>
    tpu.wait_dma2 semaphore(%arg9 : memref<!tpu.dma_semaphore, #tpu.memory_space<semaphore_mem>>) src(%dma_wait3A_157 : memref<50x128xf32, #tpu.memory_space<vmem>>) dst(%dma_wait3A_153 : memref<50x128xf32, #tpu.memory_space<hbm>>)
    %dma_wait3A_158 = arith.constant 0 : i32
    %dma_wait3A_159 = arith.constant 50 : i32
    %dma_wait3A_160 = arith.constant 0 : i32
    %dma_wait3A_161 = tpu.memref_slice %arg6[%dma_wait3A_158, %dma_wait3A_159, %dma_wait3A_160] : memref<2x128x128xf32, #tpu.memory_space<vmem>> -> memref<1x50x128xf32, #tpu.memory_space<vmem>>
    %dma_wait3A_162 = tpu.memref_squeeze %dma_wait3A_161 : memref<1x50x128xf32, #tpu.memory_space<vmem>> -> memref<50x128xf32, #tpu.memory_space<vmem>>
    %dma_wait3A_163 = arith.constant 0 : i32
    %dma_wait3A_164 = arith.constant 0 : i32
    %dma_wait3A_165 = tpu.memref_slice %arg4[%add3A_140, %dma_wait3A_163, %dma_wait3A_164] : memref<16384x50x128xf32, #tpu.memory_space<hbm>> -> memref<1x50x128xf32, #tpu.memory_space<hbm>>
    %dma_wait3A_166 = tpu.memref_squeeze %dma_wait3A_165 : memref<1x50x128xf32, #tpu.memory_space<hbm>> -> memref<50x128xf32, #tpu.memory_space<hbm>>
    %dma_wait3A_167 = arith.constant 0 : i32
    %dma_wait3A_168 = arith.constant 0 : i32
    %dma_wait3A_169 = tpu.memref_slice %arg4[%add3A_140, %dma_wait3A_167, %dma_wait3A_168] : memref<16384x50x128xf32, #tpu.memory_space<hbm>> -> memref<1x50x128xf32, #tpu.memory_space<hbm>>
    %dma_wait3A_170 = tpu.memref_squeeze %dma_wait3A_169 : memref<1x50x128xf32, #tpu.memory_space<hbm>> -> memref<50x128xf32, #tpu.memory_space<hbm>>
    %dma_wait3A_171 = arith.constant 50 : i32
    %dma_wait3A_172 = arith.constant 0 : i32
    %dma_wait3A_173 = tpu.memref_slice %arg6[%dma_wait3A_158, %dma_wait3A_171, %dma_wait3A_172] : memref<2x128x128xf32, #tpu.memory_space<vmem>> -> memref<1x50x128xf32, #tpu.memory_space<vmem>>
    %dma_wait3A_174 = tpu.memref_squeeze %dma_wait3A_173 : memref<1x50x128xf32, #tpu.memory_space<vmem>> -> memref<50x128xf32, #tpu.memory_space<vmem>>
    tpu.wait_dma2 semaphore(%arg9 : memref<!tpu.dma_semaphore, #tpu.memory_space<semaphore_mem>>) src(%dma_wait3A_174 : memref<50x128xf32, #tpu.memory_space<vmem>>) dst(%dma_wait3A_170 : memref<50x128xf32, #tpu.memory_space<hbm>>)
    %add3A_175 = arith.constant 510 : i32
    %add3A_176 = arith.addi %mul3A_2, %add3A_175 : i32
    %add3A_177 = arith.constant 0 : i32
    %add3A_178 = arith.addi %add3A_176, %add3A_177 : i32
    %add3A_179 = arith.constant 1 : i32
    %add3A_180 = arith.addi %add3A_176, %add3A_179 : i32
    %dma_wait3A_181 = arith.constant 1 : i32
    %dma_wait3A_182 = arith.constant 0 : i32
    %dma_wait3A_183 = arith.constant 0 : i32
    %dma_wait3A_184 = tpu.memref_slice %arg6[%dma_wait3A_181, %dma_wait3A_182, %dma_wait3A_183] : memref<2x128x128xf32, #tpu.memory_space<vmem>> -> memref<1x50x128xf32, #tpu.memory_space<vmem>>
    %dma_wait3A_185 = tpu.memref_squeeze %dma_wait3A_184 : memref<1x50x128xf32, #tpu.memory_space<vmem>> -> memref<50x128xf32, #tpu.memory_space<vmem>>
    %dma_wait3A_186 = arith.constant 0 : i32
    %dma_wait3A_187 = arith.constant 0 : i32
    %dma_wait3A_188 = tpu.memref_slice %arg4[%add3A_178, %dma_wait3A_186, %dma_wait3A_187] : memref<16384x50x128xf32, #tpu.memory_space<hbm>> -> memref<1x50x128xf32, #tpu.memory_space<hbm>>
    %dma_wait3A_189 = tpu.memref_squeeze %dma_wait3A_188 : memref<1x50x128xf32, #tpu.memory_space<hbm>> -> memref<50x128xf32, #tpu.memory_space<hbm>>
    %dma_wait3A_190 = arith.constant 0 : i32
    %dma_wait3A_191 = arith.constant 0 : i32
    %dma_wait3A_192 = tpu.memref_slice %arg4[%add3A_178, %dma_wait3A_190, %dma_wait3A_191] : memref<16384x50x128xf32, #tpu.memory_space<hbm>> -> memref<1x50x128xf32, #tpu.memory_space<hbm>>
    %dma_wait3A_193 = tpu.memref_squeeze %dma_wait3A_192 : memref<1x50x128xf32, #tpu.memory_space<hbm>> -> memref<50x128xf32, #tpu.memory_space<hbm>>
    %dma_wait3A_194 = arith.constant 0 : i32
    %dma_wait3A_195 = arith.constant 0 : i32
    %dma_wait3A_196 = tpu.memref_slice %arg6[%dma_wait3A_181, %dma_wait3A_194, %dma_wait3A_195] : memref<2x128x128xf32, #tpu.memory_space<vmem>> -> memref<1x50x128xf32, #tpu.memory_space<vmem>>
    %dma_wait3A_197 = tpu.memref_squeeze %dma_wait3A_196 : memref<1x50x128xf32, #tpu.memory_space<vmem>> -> memref<50x128xf32, #tpu.memory_space<vmem>>
    tpu.wait_dma2 semaphore(%arg10 : memref<!tpu.dma_semaphore, #tpu.memory_space<semaphore_mem>>) src(%dma_wait3A_197 : memref<50x128xf32, #tpu.memory_space<vmem>>) dst(%dma_wait3A_193 : memref<50x128xf32, #tpu.memory_space<hbm>>)
    %dma_wait3A_198 = arith.constant 1 : i32
    %dma_wait3A_199 = arith.constant 50 : i32
    %dma_wait3A_200 = arith.constant 0 : i32
    %dma_wait3A_201 = tpu.memref_slice %arg6[%dma_wait3A_198, %dma_wait3A_199, %dma_wait3A_200] : memref<2x128x128xf32, #tpu.memory_space<vmem>> -> memref<1x50x128xf32, #tpu.memory_space<vmem>>
    %dma_wait3A_202 = tpu.memref_squeeze %dma_wait3A_201 : memref<1x50x128xf32, #tpu.memory_space<vmem>> -> memref<50x128xf32, #tpu.memory_space<vmem>>
    %dma_wait3A_203 = arith.constant 0 : i32
    %dma_wait3A_204 = arith.constant 0 : i32
    %dma_wait3A_205 = tpu.memref_slice %arg4[%add3A_180, %dma_wait3A_203, %dma_wait3A_204] : memref<16384x50x128xf32, #tpu.memory_space<hbm>> -> memref<1x50x128xf32, #tpu.memory_space<hbm>>
    %dma_wait3A_206 = tpu.memref_squeeze %dma_wait3A_205 : memref<1x50x128xf32, #tpu.memory_space<hbm>> -> memref<50x128xf32, #tpu.memory_space<hbm>>
    %dma_wait3A_207 = arith.constant 0 : i32
    %dma_wait3A_208 = arith.constant 0 : i32
    %dma_wait3A_209 = tpu.memref_slice %arg4[%add3A_180, %dma_wait3A_207, %dma_wait3A_208] : memref<16384x50x128xf32, #tpu.memory_space<hbm>> -> memref<1x50x128xf32, #tpu.memory_space<hbm>>
    %dma_wait3A_210 = tpu.memref_squeeze %dma_wait3A_209 : memref<1x50x128xf32, #tpu.memory_space<hbm>> -> memref<50x128xf32, #tpu.memory_space<hbm>>
    %dma_wait3A_211 = arith.constant 50 : i32
    %dma_wait3A_212 = arith.constant 0 : i32
    %dma_wait3A_213 = tpu.memref_slice %arg6[%dma_wait3A_198, %dma_wait3A_211, %dma_wait3A_212] : memref<2x128x128xf32, #tpu.memory_space<vmem>> -> memref<1x50x128xf32, #tpu.memory_space<vmem>>
    %dma_wait3A_214 = tpu.memref_squeeze %dma_wait3A_213 : memref<1x50x128xf32, #tpu.memory_space<vmem>> -> memref<50x128xf32, #tpu.memory_space<vmem>>
    tpu.wait_dma2 semaphore(%arg10 : memref<!tpu.dma_semaphore, #tpu.memory_space<semaphore_mem>>) src(%dma_wait3A_214 : memref<50x128xf32, #tpu.memory_space<vmem>>) dst(%dma_wait3A_210 : memref<50x128xf32, #tpu.memory_space<hbm>>)
    return
  }
}

module attributes {stable_mosaic.version = 14 : i64} {
  func.func @_proj_body(%arg0: memref<25x300xf32, #tpu.memory_space<vmem>>, %arg1: memref<300x128xf32, #tpu.memory_space<vmem>>, %arg2: memref<1x128xf32, #tpu.memory_space<vmem>>, %arg3: memref<25x128xf32, #tpu.memory_space<vmem>>) attributes {dimension_semantics = [], scalar_prefetch = 0 : i64, scratch_operands = 0 : i64, tpu.core_type = #tpu.core_type<tc>} {
    %get3A = arith.constant 0 : index
    %get3A_0 = arith.constant 0 : index
    %get3A_1 = vector.load %arg0[%get3A, %get3A_0] : memref<25x300xf32, #tpu.memory_space<vmem>>, vector<25x300xf32>
    %get3A_2 = arith.constant 0 : index
    %get3A_3 = arith.constant 0 : index
    %get3A_4 = vector.load %arg1[%get3A_2, %get3A_3] : memref<300x128xf32, #tpu.memory_space<vmem>>, vector<300x128xf32>
    %dot_general3A = arith.constant dense<0.000000e+00> : vector<25x128xf32>
    %dot_general3A_5 = tpu.matmul %get3A_1, %get3A_4, %dot_general3A {dimension_numbers = #tpu.dot_dimension_numbers<[1], [0], [0], [1], [0, 0, 1, 1], [], []>, transpose_lhs_hint = false} : vector<25x300xf32>, vector<300x128xf32>, vector<25x128xf32> -> vector<25x128xf32>
    %get3A_6 = arith.constant 0 : index
    %get3A_7 = arith.constant 0 : index
    %get3A_8 = vector.load %arg2[%get3A_6, %get3A_7] : memref<1x128xf32, #tpu.memory_space<vmem>>, vector<1x128xf32>
    %add3A = vector.broadcast %get3A_8 : vector<1x128xf32> to vector<25x128xf32>
    %add3A_9 = arith.addf %dot_general3A_5, %add3A : vector<25x128xf32>
    %swap3A = arith.constant 0 : index
    %swap3A_10 = arith.constant 0 : index
    %swap3A_11 = vector.load %arg3[%swap3A, %swap3A_10] : memref<25x128xf32, #tpu.memory_space<vmem>>, vector<25x128xf32>
    tpu.vector_store %arg3[%swap3A, %swap3A_10], %add3A_9 {strides = array<i32>} : memref<25x128xf32, #tpu.memory_space<vmem>>, vector<25x128xf32>,
    return
  }
}

</mosaic_0001>

<sc_bundles>
// kernel: kernel.4.cloned.1.call-start
scs
__scs_entry_jumppad:
0x0: {  	(pc) =	sbr.rel $0x88, $3  }
0x1: {  	(tag) =	ssettag $0x0;
	lr =	simm.s32 $0x1  }
0x2: {  	[smem:$0x3F9D] =	sst lr;
	_ =	strace $0xD0000000  }
0x3: {  	_ = 	snop  }
0x4: {  	_ = 	snop  }
0x5: {  	_ = 	snop  }
0x6: {  	_ = 	snop  }
0x7: {  	_ = 	snop  }
__scs_overlays_trampoline_lowered:
0x8: {  	[smem:$0x3FAC] =	sst s0  }
0x9: {  	[smem:$0x3FAD] =	sst s1  }
0xa: {  	[smem:$0x3FAE] =	sst s2  }
0xb: {  	[smem:$0x3FAF] =	sst s3  }
0xc: {  	[smem:$0x3FB0] =	sst s4  }
0xd: {  	[smem:$0x3FB1] =	sst s5  }
0xe: {  	[smem:$0x3FB2] =	sst s6  }
0xf: {  	[smem:$0x3FB3] =	sst s7  }
0x10: {  	[smem:$0x3FB4] =	sst s8  }
0x11: {  	[smem:$0x3FB5] =	sst s9;
	s0 =	simm.s32 @!p0 $0x0  }
0x12: {  	s1 =	sld [smem:$0x3F9B];
	s0 =	simm.s32 @p0 $0x1  }
0x13: {  	[smem:$0x3FB6] =	sst s0;
	s0 =	simm.s32 @!p1 $0x0  }
0x14: {  	s2 =	sld [smem:$0x3F9A];
	s0 =	simm.s32 @p1 $0x1  }
0x15: {  	[smem:$0x3FB7] =	sst s0;
	s0 =	simm.s32 @!p2 $0x0  }
0x16: {  	s3 =	sld [smem:$0x3FDB];
	s0 =	simm.s32 @p2 $0x1  }
0x17: {  	s4 =	simm.s32 $0x1BF5;
	[smem:$0x3FB9] =	sst s0  }
0x18: {  	s0 =	sld [smem:$0x3F9C];
	_ =	swait.ge [sflag:s4], $0x0  }
0x19: {  	s7 =	sld [smem:$0x3F9D]  }
0x1a: {  	s8 =	sadd.s32 $0xFFFFE003, lr  }
0x1b: {  	s9 =	sadd.s32 $0xFFFFFEF7, lr;
	s5 =	simm.s32 $0xFFFFFFFF;
	p2 =	slt.u32 s8, $0xFFFFF086  }
0x1c: {  	p1 =	slt.u32 s9, $0xF7A;
	s5 =	simm.s32 @!p2 $0x0  }
0x1d: {  	s5 =	simm.s32 @p1 $0x1;
	p0 =	seq.s32 s7, s2  }
0x1e: {  	s7 =	smul.u32 @!p0 $0xF7A, s2;
	p2 =	seq.s32 @!p0 s5, $0x0  }
0x1f: {  	s9 =	smul.u32 $0xF7A, s1;
	s8 =	simm.s32 @!p0 $0x1BF5;
	p2 =	por !p2, p0  }
0x20: {  	[sflag:s8] =	ssyncset.s32 @!p0 $0xFFFFF086;
	s6 =	sadd.s32 @!p0 s3, s7;
	s7 =	simm.s32 @!p0 $0x108  }
0x21: {  	s3 =	sadd.s32 s3, s9;
	s6 =	sadd.s32 @!p0 $0x88, s6;
	s7 =	simm.s32 @p2 $0x1082  }
0x22: {  	[simem:s7], [sflag:s8] =	dma.local @!p0 [hbm:s6], $0xF7A  }
0x23: {  	s9 =	sor.u32 $0xD0000000, s2;
	s6 =	simm.s32 $0x108;
	_ =	swait.ge @!p0 [sflag:s8], $0x0  }
0x24: {  	s3 =	sadd.s32 $0x88, s3;
	s6 =	simm.s32 @!p1 $0x1082;
	[sflag:s4] =	ssyncset.s32 $0xFFFFF086  }
0x25: {  	[simem:s6], [sflag:s4] =	dma.local [hbm:s3], $0xF7A  }
0x26: {  	[smem:$0x3F9D] =	sst s1;
	(tag) =	ssettag s2;
	_ =	strace s9  }
0x27: {  	s1 =	sld [smem:$0x3FAD]  }
0x28: {  	s2 =	sld [smem:$0x3FAE]  }
0x29: {  	s4 =	sld [smem:$0x3FB0]  }
0x2a: {  	p0 =	seq.s32 s5, $0x0;
	s5 =	sld [smem:$0x3FB1]  }
0x2b: {  	s6 =	sld [smem:$0x3FB2]  }
0x2c: {  	s7 =	sld [smem:$0x3FB3]  }
0x2d: {  	s3 =	simm.s32 $0x108;
	s8 =	sld [smem:$0x3FB4]  }
0x2e: {  	s3 =	simm.s32 @!p0 $0x1082;
	s9 =	sld [smem:$0x3FB5]  }
0x2f: {  	lr =	sadd.s32 s0, s3;
	s0 =	sld [smem:$0x3FAC]  }
0x30: {  	s3 =	sld [smem:$0x3FAF]  }
0x31: {  	[smem:$0x3FB8] =	sst s10  }
0x32: {  	s10 =	sld [smem:$0x3FB6];
	_ =	sdelay $0x3  }
0x33: {  	p0 =	seq.s32 s10, $0x1;
	s10 =	sld [smem:$0x3FB8];
	_ =	sdelay $0x3  }
0x34: {  	[smem:$0x3FB8] =	sst s10  }
0x35: {  	s10 =	sld [smem:$0x3FB7];
	_ =	sdelay $0x3  }
0x36: {  	p1 =	seq.s32 s10, $0x1;
	s10 =	sld [smem:$0x3FB8];
	_ =	sdelay $0x3  }
0x37: {  	[smem:$0x3FB8] =	sst s10  }
0x38: {  	s10 =	sld [smem:$0x3FB9]  }
0x39: {  	_ = 	snop;
	(pc) =	sbr.ind lr, $3  }
0x3a: {  	_ = 	snop  }
0x3b: {  	_ = 	snop  }
0x3c: {  	p2 =	seq.s32 s10, $0x1;
	s10 =	sld [smem:$0x3FB8]  }
0x3d: {  	_ =	shalt  }
0x3e: {  	_ =	shalt  }
0x3f: {  	_ =	shalt  }
0x40: {  	_ =	shalt  }
0x41: {  	_ =	shalt  }
0x42: {  	_ =	shalt  }
0x43: {  	_ =	shalt  }
0x44: {  	_ =	shalt  }
0x45: {  	_ =	shalt  }
0x46: {  	_ =	shalt  }
0x47: {  	_ =	shalt  }
0x48: {  	_ =	shalt  }
0x49: {  	_ =	shalt  }
0x4a: {  	_ =	shalt  }
0x4b: {  	_ =	shalt  }
0x4c: {  	_ =	shalt  }
0x4d: {  	_ =	shalt  }
0x4e: {  	_ =	shalt  }
0x4f: {  	_ =	shalt  }
0x50: {  	_ =	shalt  }
0x51: {  	_ =	shalt  }
0x52: {  	_ =	shalt  }
0x53: {  	_ =	shalt  }
0x54: {  	_ =	shalt  }
0x55: {  	_ =	shalt  }
0x56: {  	_ =	shalt  }
0x57: {  	_ =	shalt  }
0x58: {  	_ =	shalt  }
0x59: {  	_ =	shalt  }
0x5a: {  	_ =	shalt  }
0x5b: {  	_ =	shalt  }
0x5c: {  	_ =	shalt  }
0x5d: {  	_ =	shalt  }
0x5e: {  	_ =	shalt  }
0x5f: {  	_ =	shalt  }
0x60: {  	_ =	shalt  }
0x61: {  	_ =	shalt  }
0x62: {  	_ =	shalt  }
0x63: {  	_ =	shalt  }
0x64: {  	_ =	shalt  }
0x65: {  	_ =	shalt  }
0x66: {  	_ =	shalt  }
0x67: {  	_ =	shalt  }
0x68: {  	_ =	shalt  }
0x69: {  	_ =	shalt  }
0x6a: {  	_ =	shalt  }
0x6b: {  	_ =	shalt  }
0x6c: {  	_ =	shalt  }
0x6d: {  	_ =	shalt  }
0x6e: {  	_ =	shalt  }
0x6f: {  	_ =	shalt  }
0x70: {  	_ =	shalt  }
0x71: {  	_ =	shalt  }
0x72: {  	_ =	shalt  }
0x73: {  	_ =	shalt  }
0x74: {  	_ =	shalt  }
0x75: {  	_ =	shalt  }
0x76: {  	_ =	shalt  }
0x77: {  	_ =	shalt  }
0x78: {  	_ =	shalt  }
0x79: {  	_ =	shalt  }
0x7a: {  	_ =	shalt  }
0x7b: {  	_ =	shalt  }
0x7c: {  	_ =	shalt  }
0x7d: {  	_ =	shalt  }
0x7e: {  	_ =	shalt  }
0x7f: {  	_ =	shalt  }
0x80: {  	_ =	shalt  }
0x81: {  	_ =	shalt  }
0x82: {  	_ =	shalt  }
0x83: {  	_ =	shalt  }
0x84: {  	_ =	shalt  }
0x85: {  	_ =	shalt  }
0x86: {  	_ =	shalt  }
0x87: {  	_ =	shalt  }
.Lfunc_end0:
.L_simem_size_0:
called_computation_lowered:
.L_overlay_start_0:
0x88: {  	s2 =	sld [smem:$0x3FD9]  }
0x89: {  	s3 =	sld [smem:$0x3FFE];
	_ =	sdelay $0x1  }
0x8a: {  	s1 =	srdreg.scid  }
0x8b: {  	s0 =	sand.u32 $0x1, s1  }
0x8c: {  	s17 =	sshll.u32 s0, $0xA;
	s2 =	sadd.s32 s3, s2  }
0x8d: {  	s2 =	sadd.s32 s2, s17  }
0x8e: {  	[smem:$0x3FC4] =	sst s2  }
0x8f: {  	_ = 	snop  }
0x90: {  	s2 =	sld [smem:$0x3FD0];
	(tm) =	ssettm $0x1  }
0x91: {  	s18 =	sld [smem:$0x3FFB];
	_ =	sdelay $0x3  }
0x92: {  	_ =	strace s18  }
0x93: {  	s3 =	sld [smem:$0x3FFC];
	_ =	sdelay $0x3  }
0x94: {  	_ =	strace s3  }
0x95: {  	s3 =	sld [smem:$0x3FFD];
	_ =	sdelay $0x3  }
0x96: {  	_ =	strace s3  }
0x97: {  	_ =	strace $0x8FFFFFFF  }
0x98: {  	s19 =	sld [smem:$0x3FDB];
	_ =	sdelay $0x1  }
0x99: {  	s4 =	simm.s32 $_scs_section_size  }
0x9a: {  	s5 =	simm.s32 $_size__tile_overlayer_lowered;
	s6 =	simm.s32 $_tile_overlayer_lowered  }
0x9b: {  	s22 =	simm.s32 $0x1BFF;
	s21 =	sshll.u32 s6, $0x1;
	s3 =	sadd.s32 s4, s19  }
0x9c: {  	s7 =	simm.s32 $0x0;
	s20 =	sshll.u32 s5, $0x1;
	s5 =	sadd.s32 s21, s3  }
0x9d: {  	[timem:s7], [sflag:s22] =	dma.local [hbm:s5], s20  }
0x9e: {  	_ =	swait.ge [sflag:s22], s20  }
0x9f: {  	s4 =	ssub.s32 $0x0, s20;
	[sflag:s22] =	ssyncset.done $0x0  }
0xa0: {  	[sflag:s22] =	ssyncadd.s32 s4;
	_ =	sdelay $0x1  }
0xa1: {  	s23 =	simm.s32 $0x1B8B  }
0xa2: {  	_ =	swait.ge [sflag:s23], $0x1  }
0xa3: {  	[sflag:s23] =	ssyncset.done $0x0  }
0xa4: {  	s25 =	simm.s32 $0x1B8E;
	s24 =	sld [smem:$0x3FFE];
	[sflag:s23] =	ssyncadd.s32 $0xFFFFFFFF  }
0xa5: {  	s26 =	simm.s32 $execute0_lowered;
	[smem:$0x3FD2] =	sst s25  }
0xa6: {  	s5 =	sshll.u32 s26, $0x1;
	_ =	strace $0x80000046;
	[dreg:$0x1] =	wrdreg $0xFFFFFFFF  }
0xa7: {  	s28 =	simm.s32 $_size_execute0_lowered;
	s3 =	sadd.s32 s3, s5;
	[dreg:$0x0] =	wrdreg $0x0  }
0xa8: {  	s5 =	sshll.u32 s28, $0x1;
	[dreg:$0x2] =	wrdreg s3  }
0xa9: {  	[dreg:$0x3] =	wrdreg s5  }
0xaa: {  	[dreg:$0x4] =	wrdreg $0xC0  }
0xab: {  	_ =	task [dreg:s7], $0x5FFFF  }
0xac: {  	[dreg:$0x1] =	wrdreg $0xFFFFFFFF  }
0xad: {  	[dreg:$0x0] =	wrdreg $0x60  }
0xae: {  	[dreg:$0x2] =	wrdreg s2  }
0xaf: {  	[dreg:$0x3] =	wrdreg s24  }
0xb0: {  	[dreg:$0x4] =	wrdreg $0x100000  }
0xb1: {  	[dreg:$0x5] =	wrdreg $0x9  }
0xb2: {  	_ =	task.clear_ibuf [dreg:s7], $0x6FFFF;
	_ =	strace $0x90000046  }
0xb3: {  	s29 =	simm.s32 $0x9;
	_ =	strace $0x80000048  }
0xb4: {  	_ =	swait.ge [sflag:s29], $0x1  }
0xb5: {  	[sflag:s29] =	ssyncadd.s32 $0xFFFFFFFF  }
0xb6: {  	_ =	strace $0x90000048  }
0xb7: {  	_ =	sfence  }
0xb8: {  	s30 =	sld [smem:$0x0];
	_ =	sdelay $0x2  }
0xb9: {  	s31 =	sshll.u32 s1, $0xD;
	s1 =	sshrl.u32 s1, $0x2  }
0xba: {  	s3 =	sand.u32 $0x4000, s31;
	s1 =	sadd.s32 s1, s30  }
0xbb: {  	s0 =	sor.u32 s3, s0;
	s1 =	sshll.u32 s1, $0x11  }
0xbc: {  	s0 =	sor.u32 s1, s0  }
0xbd: {  	s0 =	sadd.s32 $0x8F2B, s0  }
0xbe: {  	[sflag:s0] =	ssyncadd.remote.s32 $0x1  }
0xbf: {  	_ =	sfence.sel $0xFFFF  }
0xc0: {  	[dreg:$0x0] =	wrdreg $0xFFFFFFFF;
	(pc) =	sbr.abs _section_cstart, $3  }
0xc1: {  	[dreg:$0x1] =	wrdreg $0xFFFFFFFF  }
0xc2: {  	_ =	task.clear_ibuf [dreg:s7], $0x2FFFF;
	_ =	strace $0x9FFFFFFF  }
0xc3: {  	(tm) =	ssettm $0x7FFFFFFF  }
tec
execute0_lowered:
.L_overlay_start_1:
0x0: {  	(tag) =	ssettag $0x1  }
0x1: {  	s4 =	rddreg [dreg:$0x0]  }
0x2: {  	s5 =	rddreg [dreg:$0x1]  }
0x3: {  	s1 =	rddreg [dreg:$0x2]  }
0x4: {  	s0 =	rddreg [dreg:$0x3];
	s2 =	simm.s32 $0x0  }
0x5: {  	s3 =	srdreg.scid;
	s12 =	stileid.u32;
	s17 =	simm.s32 $0x1  }
0x6: {  	s18 =	simm.s32 $0x9900;
	s19 =	simm.s32 $0xC000;
	s20 =	simm.s32 $0xD900  }
0x7: {  	s21 =	simm.s32 $0x2;
	s22 =	simm.s32 $0x3;
	s23 =	simm.s32 $0x0  }
0x8: {  	[smem:$0x7FF] =	sst s2;
	s9 =	sand.u32 $0x1, s3;
	s11 =	smul.u32 $0x700000, s12  }
0x9: {  	s6 =	sshll.u32 s12, $0x1;
	s3 =	sadd.s32 $0xC00, s5;
	s15 =	smul.u32 $0xE0000, s12  }
0xa: {  	s13 =	sadd.s32 $0xE00, s5;
	p0 =	sne.s32 s12, $0x0;
	s14 =	smul.u32 $0x380000, s9  }
0xb: {  	s7 =	ssub.s32 $0x2, s9;
	s6 =	sor.u32 s9, s6;
	s16 =	smul.u32 $0x70000, s9  }
0xc: {  	_ =	strace $0x80000047;
	s26 =	sshrl.u32 s7, $0x1;
	s8 =	smul.u32 $0x70000, s6  }
0xd: {  	s28 =	sshll.u32 s6, $0xC;
	s29 =	sadd.s32 s15, s13;
	s15 =	simm.s32 $0x80  }
0xe: {  	s10 =	ssub.s32 s7, s26;
	s4 =	sadd.s32 s4, s28;
	s11 =	sadd.s32 s14, s11  }
0xf: {  	s5 =	sadd.s32 s13, s8;
	s9 =	smax.u32 s10, $0x1;
	s14 =	sor.u32 $0x8C00, s11  }
0x10: {  	s10 =	sadd.s32 s16, s29;
	s30 =	sor.u32 $0xC400, s11;
	s16 =	simm.s32 $0x8000  }
0x11: {  	s6 =	sadd.s32 $0x380, s5;
	s7 =	sadd.s32 $0x700, s5;
	s14 =	sshrl.u32 s14, $0x3  }
0x12: {  	s8 =	sadd.s32 $0xA80, s5;
	s31 =	sshrl.u32 s30, $0x3;
	s11 =	sadd.s32 s14, s13  }
0x13: {  	s12 =	sadd.s32 s31, s13;
	s13 =	sshrl.u32 @!p0 s1, $0x3;
	s14 =	simm.s32 $0x4  }
.LBB2_1:
0x14: {  	s24 =	simm.s32 @!p0 $0x1C04  }
0x15: {  	[spmem:s13], [sflag:s24] =	dma.local @!p0 [hbm:s3], $0x190  }
0x16: {  	s24 =	simm.s32 @!p0 $0x4  }
0x17: {  	_ =	swait.ge @!p0 [sflag:s24], $0x190  }
0x18: {  	[sflag:s24] =	ssyncset.done @!p0 $0x0  }
0x19: {  	[sflag:s24] =	ssyncadd.s32 @!p0 $0xFFFFFE70  }
0x1a: {  	[tilespmem:s2], [sflag:$0x4] =	stream.linear.gather [hbm4b:s4+s2], $0x8000, $0x38;
	[tilespmem:$0x100C8] =	vst v63  }
0x1b: {  	_ =	swait.ge [sflag:s14], $0x8000  }
0x1c: {  	[sflag:s14] =	ssyncset.done $0x0  }
0x1d: {  	[sflag:s14] =	ssyncadd.s32 $0xFFFF8000  }
0x1e: {  	[bflag:$0x0] =	sbarrier.arrive $0xFFFF  }
0x1f: {  	[tilespmem:s16], [sflag:$0x1] =	stream.indirect.gather [spmem:s1], $0x80, s2, s15, $0xb8;
	[tilespmem:$0x100C8] =	vst v63  }
0x20: {  	_ =	swait.ge [sflag:s17], $0x4000  }
0x21: {  	[sflag:s17] =	ssyncset.done $0x0  }
0x22: {  	[sflag:s17] =	ssyncadd.s32 $0xFFFFC000  }
0x23: {  	[hbm4b:s5+s2] =	stream.linear.scatter [tilespmem:s16], [sflag:$0x2], $0x1900, $0x38;
	[tilespmem:$0x100C8] =	vst v63  }
0x24: {  	_ = 	snop  }
0x25: {  	[hbm4b:s6+s2] =	stream.linear.scatter [tilespmem:s18], [sflag:$0x2], $0x1900, $0x38;
	[tilespmem:$0x100C8] =	vst v63  }
0x26: {  	_ = 	snop  }
0x27: {  	[tilespmem:s19], [sflag:$0x1] =	stream.indirect.gather [spmem:s1], $0x80, s15, s15, $0xb8;
	[tilespmem:$0x100C8] =	vst v63  }
0x28: {  	_ =	swait.ge [sflag:s17], $0x4000  }
0x29: {  	[sflag:s17] =	ssyncset.done $0x0  }
0x2a: {  	[sflag:s17] =	ssyncadd.s32 $0xFFFFC000  }
0x2b: {  	[hbm4b:s7+s2] =	stream.linear.scatter [tilespmem:s19], [sflag:$0x3], $0x1900, $0x38;
	[tilespmem:$0x100C8] =	vst v63  }
0x2c: {  	_ = 	snop  }
0x2d: {  	[hbm4b:s8+s2] =	stream.linear.scatter [tilespmem:s20], [sflag:$0x3], $0x1900, $0x38;
	[tilespmem:$0x100C8] =	vst v63  }
0x2e: {  	_ =	swait.ge [sflag:s21], $0x1900  }
0x2f: {  	[sflag:s21] =	ssyncset.done $0x0  }
0x30: {  	[sflag:s21] =	ssyncadd.s32 $0xFFFFE700  }
0x31: {  	_ =	swait.ge [sflag:s21], $0x1900  }
0x32: {  	[sflag:s21] =	ssyncset.done $0x0  }
0x33: {  	s28 =	simm.s32 $0x100;
	[sflag:s21] =	ssyncadd.s32 $0xFFFFE700  }
0x34: {  	[tilespmem:s16], [sflag:$0x1] =	stream.indirect.gather [spmem:s1], $0x80, s28, s15, $0xb8;
	[tilespmem:$0x100C8] =	vst v63  }
0x35: {  	_ =	swait.ge [sflag:s17], $0x4000  }
0x36: {  	s29 =	sadd.s32 $0x0, s10;
	[sflag:s17] =	ssyncset.done $0x0  }
0x37: {  	s25 =	sadd.s32 $0xE00, s29;
	[sflag:s17] =	ssyncadd.s32 $0xFFFFC000  }
0x38: {  	[hbm4b:s25+s2] =	stream.linear.scatter [tilespmem:s16], [sflag:$0x2], $0x1900, $0x38;
	[tilespmem:$0x100C8] =	vst v63  }
0x39: {  	s30 =	sadd.s32 $0x0, s11  }
0x3a: {  	[hbm4b:s30+s2] =	stream.linear.scatter [tilespmem:s18], [sflag:$0x2], $0x1900, $0x38;
	[tilespmem:$0x100C8] =	vst v63  }
0x3b: {  	_ =	swait.ge [sflag:s22], $0x1900  }
0x3c: {  	[sflag:s22] =	ssyncset.done $0x0  }
0x3d: {  	[sflag:s22] =	ssyncadd.s32 $0xFFFFE700  }
0x3e: {  	_ =	swait.ge [sflag:s22], $0x1900  }
0x3f: {  	[sflag:s22] =	ssyncset.done $0x0  }
0x40: {  	s31 =	simm.s32 $0x180;
	[sflag:s22] =	ssyncadd.s32 $0xFFFFE700  }
0x41: {  	[tilespmem:s19], [sflag:$0x1] =	stream.indirect.gather [spmem:s1], $0x80, s31, s15, $0xb8;
	[tilespmem:$0x100C8] =	vst v63  }
0x42: {  	_ =	swait.ge [sflag:s17], $0x4000  }
0x43: {  	[sflag:s17] =	ssyncset.done $0x0  }
0x44: {  	s24 =	sadd.s32 $0x1500, s29;
	[sflag:s17] =	ssyncadd.s32 $0xFFFFC000  }
0x45: {  	[hbm4b:s24+s2] =	stream.linear.scatter [tilespmem:s19], [sflag:$0x3], $0x1900, $0x38;
	[tilespmem:$0x100C8] =	vst v63  }
0x46: {  	s26 =	sadd.s32 $0x0, s12;
	s25 =	simm.s32 $0x200;
	s24 =	simm.s32 $0xE00  }
.LBB2_2:
0x47: {  	[hbm4b:s26+s2] =	stream.linear.scatter [tilespmem:s20], [sflag:$0x3], $0x1900, $0x38;
	[tilespmem:$0x100C8] =	vst v63  }
0x48: {  	s26 =	smov.u32 s24  }
0x49: {  	p1 =	sne.s32 s24, $0x6E400;
	s24 =	sadd.s32 $0xE00, s24;
	_ =	swait.ge [sflag:s21], $0x1900  }
0x4a: {  	[sflag:s21] =	ssyncset.done $0x0  }
0x4b: {  	[sflag:s21] =	ssyncadd.s32 $0xFFFFE700  }
0x4c: {  	_ =	swait.ge [sflag:s21], $0x1900  }
0x4d: {  	[sflag:s21] =	ssyncset.done $0x0  }
0x4e: {  	[sflag:s21] =	ssyncadd.s32 $0xFFFFE700  }
0x4f: {  	[tilespmem:s16], [sflag:$0x1] =	stream.indirect.gather [spmem:s1], $0x80, s25, s15, $0xb8;
	[tilespmem:$0x100C8] =	vst v63  }
0x50: {  	_ =	swait.ge [sflag:s17], $0x4000  }
0x51: {  	s28 =	sadd.s32 s26, s10;
	[sflag:s17] =	ssyncset.done $0x0  }
0x52: {  	s29 =	sadd.s32 $0xE00, s28;
	[sflag:s17] =	ssyncadd.s32 $0xFFFFC000  }
0x53: {  	[hbm4b:s29+s2] =	stream.linear.scatter [tilespmem:s16], [sflag:$0x2], $0x1900, $0x38;
	[tilespmem:$0x100C8] =	vst v63  }
0x54: {  	s29 =	sadd.s32 s26, s11  }
0x55: {  	[hbm4b:s29+s2] =	stream.linear.scatter [tilespmem:s18], [sflag:$0x2], $0x1900, $0x38;
	[tilespmem:$0x100C8] =	vst v63  }
0x56: {  	_ =	swait.ge [sflag:s22], $0x1900  }
0x57: {  	[sflag:s22] =	ssyncset.done $0x0  }
0x58: {  	[sflag:s22] =	ssyncadd.s32 $0xFFFFE700  }
0x59: {  	_ =	swait.ge [sflag:s22], $0x1900  }
0x5a: {  	[sflag:s22] =	ssyncset.done $0x0  }
0x5b: {  	s29 =	sadd.s32 $0x80, s25;
	[sflag:s22] =	ssyncadd.s32 $0xFFFFE700  }
0x5c: {  	[tilespmem:s19], [sflag:$0x1] =	stream.indirect.gather [spmem:s1], $0x80, s29, s15, $0xb8;
	[tilespmem:$0x100C8] =	vst v63  }
.Ltmp0:
0x5d: {  	_ =	swait.ge [sflag:s17], $0x4000;
	(pc) =	sbr.rel @p1 .LBB2_2-.Ltmp0, $4  }
0x5e: {  	[sflag:s17] =	ssyncset.done $0x0  }
0x5f: {  	s28 =	sadd.s32 $0x1500, s28;
	[sflag:s17] =	ssyncadd.s32 $0xFFFFC000  }
0x60: {  	[hbm4b:s28+s2] =	stream.linear.scatter [tilespmem:s19], [sflag:$0x3], $0x1900, $0x38;
	[tilespmem:$0x100C8] =	vst v63  }
0x61: {  	s26 =	sadd.s32 s26, s12;
	s25 =	sadd.s32 $0x100, s25  }
0x62: {  	[hbm4b:s26+s2] =	stream.linear.scatter [tilespmem:s20], [sflag:$0x3], $0x1900, $0x38;
	[tilespmem:$0x100C8] =	vst v63  }
0x63: {  	_ =	swait.ge [sflag:s21], $0x1900  }
0x64: {  	[sflag:s21] =	ssyncset.done $0x0  }
0x65: {  	[sflag:s21] =	ssyncadd.s32 $0xFFFFE700  }
0x66: {  	_ =	swait.ge [sflag:s21], $0x1900  }
0x67: {  	[sflag:s21] =	ssyncset.done $0x0  }
0x68: {  	s23 =	sadd.s32 $0x1, s23;
	[sflag:s21] =	ssyncadd.s32 $0xFFFFE700  }
0x69: {  	p1 =	sne.s32 s23, s9;
	_ =	swait.ge [sflag:s22], $0x1900  }
.Ltmp1:
0x6a: {  	[sflag:s22] =	ssyncset.done $0x0;
	(pc) =	sbr.rel @p1 .LBB2_1-.Ltmp1, $4  }
0x6b: {  	[sflag:s22] =	ssyncadd.s32 $0xFFFFE700  }
0x6c: {  	_ =	swait.ge [sflag:s22], $0x1900  }
0x6d: {  	[sflag:s22] =	ssyncset.done $0x0  }
0x6e: {  	[sflag:s22] =	ssyncadd.s32 $0xFFFFE700  }
0x6f: {  	_ =	sfence.sel $0x180000  }
0x70: {  	[bflag:$0x0] =	sbarrier.arrive $0xFFFF  }
0x71: {  	_ =	strace $0x90000047  }
0x72: {  	s0 =	sadd.s32 @!p0 $0x100000, s0;
	[bflag:$0x2] =	sbarrier.arrive $0xFFFF  }
0x73: {  	[sflag:s0] =	ssyncadd.tile.s32 @!p0 $0x1;
	_ =	shalt  }
.Lfunc_end2:
_tile_overlayer_lowered:
.L_overlay_start_2:
0x74: {  	(tag) =	ssettag $0x2  }
0x75: {  	s0 =	rddreg [dreg:$0x0];
	s2 =	stileid.u32  }
0x76: {  	s1 =	rddreg [dreg:$0x1];
	p0 =	sne.s32 s2, $0x0  }
0x77: {  	s3 =	rddreg [dreg:$0x2];
	[bflag:$0x3] =	sbarrier.arrive $0xFFFF;
	s2 =	simm.s32 @!p0 $0x1C04  }
0x78: {  	[timem:s3], [sflag:s2] =	dma.local @!p0 [hbm:s0], s1  }
0x79: {  	s0 =	simm.s32 @!p0 $0x4  }
0x7a: {  	_ =	swait.ge @!p0 [sflag:s0], s1  }
0x7b: {  	s1 =	ssub.s32 @!p0 $0x0, s1;
	[sflag:s0] =	ssyncset.done @!p0 $0x0  }
0x7c: {  	[sflag:s0] =	ssyncadd.s32 @!p0 s1  }
0x7d: {  	[bflag:$0x3] =	sbarrier.arrive $0xFFFF  }
0x7e: {  	_ =	shalt  }

</sc_bundles>
